<compile_context>
chip_gen: v7x
topology: tpu7x:2x2x1
jax: 0.10.2.dev20260603
libtpu: 0.0.44.dev20260713+nightly
codegen_flags: <defaults>
</compile_context>

<pallas_src>
import functools

import jax
import jax.numpy as jnp
from jax import lax
from jax.experimental import pallas as pl
from jax.experimental.pallas import tpu as pltpu
from jax.experimental.pallas import tpu_sc as plsc

N = 10000
E = 320000
D = 128

NC = 2
NS = 16
NW = NC * NS
CHUNK = 128
NCHUNK = 81
EPW = CHUNK * NCHUNK
EP = NW * EPW
NPAD = 10112
RPS = NPAD // NS


def _sc_aggregate(feat, src_flat, dst_flat, zeros):
    mesh = plsc.VectorSubcoreMesh(core_axis_name="c", subcore_axis_name="s")

    @functools.partial(
        pl.kernel,
        out_type=[jax.ShapeDtypeStruct((NPAD, D), jnp.float32),
                  jax.ShapeDtypeStruct((NPAD, D), jnp.float32)],
        mesh=mesh,
        scratch_types=[
            pltpu.VMEM((3, CHUNK), jnp.int32),
            pltpu.VMEM((3, CHUNK), jnp.int32),
            pltpu.VMEM((CHUNK, D), jnp.float32),
            pltpu.VMEM((CHUNK, D), jnp.float32),
            pltpu.VMEM((CHUNK, D), jnp.float32),
            pltpu.VMEM_SHARED((NPAD, D), jnp.float32),
            pltpu.SemaphoreType.DMA,
            pltpu.SemaphoreType.DMA,
            pltpu.SemaphoreType.DMA,
            pltpu.SemaphoreType.DMA,
            pltpu.SemaphoreType.DMA,
            pltpu.SemaphoreType.DMA,
            pltpu.SemaphoreType.DMA,
            pltpu.SemaphoreType.DMA,
            pltpu.SemaphoreType.DMA,
            pltpu.SemaphoreType.DMA,
            pltpu.SemaphoreType.DMA,
            pltpu.SemaphoreType.DMA,
        ],
    )
    def agg_kernel(feat_hbm, src_hbm, dst_hbm, zeros_hbm, out0_hbm, out1_hbm,
                   sidx, didx, rows0, rows1, rows2, acc,
                   g0, g1, g2, s0, s1, s2, i0, i1, i2, d0, d1, d2):
        cid = lax.axis_index("c")
        sid = lax.axis_index("s")
        wid = sid * NC + cid
        base = wid * EPW
        rows = (rows0, rows1, rows2)
        sem_g = (g0, g1, g2)
        sem_s = (s0, s1, s2)
        sem_i = (i0, i1, i2)
        sem_d = (d0, d1, d2)

        pltpu.sync_copy(zeros_hbm, acc.at[pl.ds(sid * RPS, RPS)])
        for x in range(3):
            pltpu.sync_copy(src_hbm.at[pl.ds(base + x * CHUNK, CHUNK)],
                            sidx.at[x])
            pltpu.async_copy(dst_hbm.at[pl.ds(base + x * CHUNK, CHUNK)],
                             didx.at[x], sem_d[x])
            pltpu.async_copy(feat_hbm.at[sidx.at[x]], rows[x], sem_g[x])
        plsc.subcore_barrier()

        @pl.loop(0, NCHUNK, step=3)
        def _(j):
            for x in range(3):
                nxt = base + lax.rem(j + 3 + x, NCHUNK) * CHUNK
                pltpu.make_async_copy(feat_hbm.at[sidx.at[x]], rows[x],
                                      sem_g[x]).wait()
                pltpu.make_async_copy(dst_hbm.at[pl.ds(nxt, CHUNK)],
                                      didx.at[x], sem_d[x]).wait()
                pltpu.async_copy(rows[x], acc.at[didx.at[x]], sem_s[x],
                                 add=True)
                pltpu.async_copy(src_hbm.at[pl.ds(nxt, CHUNK)], sidx.at[x],
                                 sem_i[x])

            for x in range(3):
                nxt = base + lax.rem(j + 3 + x, NCHUNK) * CHUNK
                pltpu.make_async_copy(rows[x], acc.at[didx.at[x]],
                                      sem_s[x]).wait()
                pltpu.async_copy(dst_hbm.at[pl.ds(nxt, CHUNK)], didx.at[x],
                                 sem_d[x])
                pltpu.make_async_copy(src_hbm.at[pl.ds(nxt, CHUNK)],
                                      sidx.at[x], sem_i[x]).wait()
                pltpu.async_copy(feat_hbm.at[sidx.at[x]], rows[x], sem_g[x])

        for x in range(3):
            pltpu.make_async_copy(feat_hbm.at[sidx.at[x]], rows[x],
                                  sem_g[x]).wait()
            pltpu.make_async_copy(dst_hbm.at[pl.ds(base, CHUNK)], didx.at[x],
                                  sem_d[x]).wait()
        plsc.subcore_barrier()

        @pl.when(cid == 0)
        def _():
            pltpu.sync_copy(acc.at[pl.ds(sid * RPS, RPS)],
                            out0_hbm.at[pl.ds(sid * RPS, RPS)])

        @pl.when(cid == 1)
        def _():
            pltpu.sync_copy(acc.at[pl.ds(sid * RPS, RPS)],
                            out1_hbm.at[pl.ds(sid * RPS, RPS)])

    return agg_kernel(feat, src_flat, dst_flat, zeros)


def _dense_layer(x, p0, p1, indeg, w_top, w_bot, b, gamma, beta, ln_relu):
    R = 2000

    def body(x_ref, p0_ref, p1_ref, d_ref, wt_ref, wb_ref, b_ref, g_ref,
             be_ref, o_ref):
        agg = (p0_ref[...] + p1_ref[...]) / d_ref[...]
        h = (
            jnp.dot(x_ref[...], wt_ref[...], preferred_element_type=jnp.float32)
            + jnp.dot(agg, wb_ref[...], preferred_element_type=jnp.float32)
            + b_ref[...]
        )
        if ln_relu:
            mu = jnp.mean(h, axis=-1, keepdims=True)
            var = jnp.mean((h - mu) ** 2, axis=-1, keepdims=True)
            h = (h - mu) * lax.rsqrt(var + 1e-5) * g_ref[...] + be_ref[...]
            h = jnp.maximum(h, 0.0)
        o_ref[...] = h

    row_spec = pl.BlockSpec((R, D), lambda i: (i, 0))
    full_spec = pl.BlockSpec((D, D), lambda i: (0, 0))
    vec_spec = pl.BlockSpec((1, D), lambda i: (0, 0))
    return pl.pallas_call(
        body,
        grid=(N // R,),
        in_specs=[
            row_spec, row_spec, row_spec,
            pl.BlockSpec((R, 1), lambda i: (i, 0)),
            full_spec, full_spec, vec_spec, vec_spec, vec_spec,
        ],
        out_specs=row_spec,
        out_shape=jax.ShapeDtypeStruct((N, D), jnp.float32),
    )(x, p0, p1, indeg, w_top, w_bot, b, gamma, beta)


def kernel(feat, g, in_deg, W1, b1, W2, b2, gamma, beta):
    zeros = jnp.zeros((RPS, D), jnp.float32)
    indeg = in_deg[:, None]
    b1r = b1[None, :]
    b2r = b2[None, :]
    gr = gamma[None, :]
    ber = beta[None, :]

    pad = EP - E
    pad_dst = N + jnp.arange(pad, dtype=jnp.int32) % (NPAD - N)
    pad_src = jnp.arange(pad, dtype=jnp.int32) % N
    src_flat = jnp.concatenate([g[0], pad_src])
    dst_flat = jnp.concatenate([g[1], pad_dst])
    p0, p1 = _sc_aggregate(feat, src_flat, dst_flat, zeros)
    h1 = _dense_layer(feat, p0, p1, indeg, W1[:D], W1[D:],
                      b1r, gr, ber, True)
    q0, q1 = _sc_aggregate(h1, src_flat, dst_flat, zeros)
    return _dense_layer(h1, q0, q1, indeg, W2[:D], W2[D:],
                        b2r, gr, ber, False)

# --- scband reference (transcript-rebuilt; emitter-appended) ---
"""Pipeline reference for scband-graph-sagewith-fs-12773232738840 (READ-ONLY COPY).

The authoritative reference and input builder live on the scoring server;
editing this copy changes nothing except your own understanding.
"""

import jax, jax.numpy as jnp
import numpy as np

N = 10000
E = 320000
D = 128


def layer_norm(x, gamma, beta, eps=1e-5):
    mu = jnp.mean(x, axis=-1, keepdims=True)
    var = jnp.var(x, axis=-1, keepdims=True)
    return (x - mu) / jnp.sqrt(var + eps) * gamma + beta


def sage_layer(feat, src, dst, in_deg, W, b):
    # DGL update_all(copy_src, sum) -> scatter-add over dst, then mean via in_deg
    msgs = jnp.take(feat, src, axis=0)
    agg = jax.ops.segment_sum(msgs, dst, num_segments=N)
    agg = agg / in_deg[:, None]
    h = jnp.concatenate([feat, agg], axis=1)
    return h @ W + b


def setup_inputs(seed: int = 0) -> dict:
    key = jax.random.key(seed)
    ks = jax.random.split(key, 9)
    feat = jax.random.normal(ks[0], (N, D), dtype=jnp.float32)
    g = jax.random.randint(ks[1], (2, E), 0, N, dtype=jnp.int32)
    in_deg = jax.random.uniform(ks[2], (N,), dtype=jnp.float32)
    # GraphSAGELayer i: Linear(2*layer_size[i] -> layer_size[i+1]) over concat(self, agg)
    W1 = jax.random.normal(ks[3], (2 * D, D), dtype=jnp.float32) * 0.05
    b1 = jnp.zeros((D,), dtype=jnp.float32)
    W2 = jax.random.normal(ks[4], (2 * D, D), dtype=jnp.float32) * 0.05
    b2 = jnp.zeros((D,), dtype=jnp.float32)
    gamma = jnp.ones((D,), dtype=jnp.float32)
    beta = jnp.zeros((D,), dtype=jnp.float32)
    return {"feat": feat, "g": g, "in_deg": in_deg, "W1": W1, "b1": b1,
            "W2": W2, "b2": b2, "gamma": gamma, "beta": beta}


def reference(feat, g, in_deg, W1, b1, W2, b2, gamma, beta):
    # eval-mode forward with fs=False, n_linear=0, dropout=0, norm='layer'
    src = g[0]
    dst = g[1]
    h = feat
    # layer 0: GraphSAGELayer -> LayerNorm -> relu
    h = sage_layer(h, src, dst, in_deg, W1, b1)
    h = layer_norm(h, gamma, beta)
    h = jax.nn.relu(h)
    # layer 1 (last): GraphSAGELayer, no norm/activation
    h = sage_layer(h, src, dst, in_deg, W2, b2)
    return h

if __name__ == "__main__":
    import jax
    _d = setup_inputs()
    print(jax.jit(kernel)(*tuple(_d.values())))

</pallas_src>

<mosaic_0001>
#map = affine_map<(d0, d1) -> (0, 0)>
#map1 = affine_map<(d0, d1) -> (0)>
module attributes {stable_mosaic.version = 14 : i64} {
  func.func @agg_kernel(%arg0: i32, %arg1: i32, %arg2: memref<10000x128xf32, #tpu.memory_space<hbm>>, %arg3: memref<331776xi32, #tpu.memory_space<hbm>>, %arg4: memref<331776xi32, #tpu.memory_space<hbm>>, %arg5: memref<632x128xf32, #tpu.memory_space<hbm>>, %arg6: memref<10112x128xf32, #tpu.memory_space<hbm>>, %arg7: memref<10112x128xf32, #tpu.memory_space<hbm>>, %arg8: memref<3x128xi32, #tpu.memory_space<vmem>>, %arg9: memref<3x128xi32, #tpu.memory_space<vmem>>, %arg10: memref<128x128xf32, #tpu.memory_space<vmem>>, %arg11: memref<128x128xf32, #tpu.memory_space<vmem>>, %arg12: memref<128x128xf32, #tpu.memory_space<vmem>>, %arg13: memref<10112x128xf32, #tpu.memory_space<vmem_shared>>, %arg14: memref<!tpu.dma_semaphore, #tpu.memory_space<semaphore_mem>>, %arg15: memref<!tpu.dma_semaphore, #tpu.memory_space<semaphore_mem>>, %arg16: memref<!tpu.dma_semaphore, #tpu.memory_space<semaphore_mem>>, %arg17: memref<!tpu.dma_semaphore, #tpu.memory_space<semaphore_mem>>, %arg18: memref<!tpu.dma_semaphore, #tpu.memory_space<semaphore_mem>>, %arg19: memref<!tpu.dma_semaphore, #tpu.memory_space<semaphore_mem>>, %arg20: memref<!tpu.dma_semaphore, #tpu.memory_space<semaphore_mem>>, %arg21: memref<!tpu.dma_semaphore, #tpu.memory_space<semaphore_mem>>, %arg22: memref<!tpu.dma_semaphore, #tpu.memory_space<semaphore_mem>>, %arg23: memref<!tpu.dma_semaphore, #tpu.memory_space<semaphore_mem>>, %arg24: memref<!tpu.dma_semaphore, #tpu.memory_space<semaphore_mem>>, %arg25: memref<!tpu.dma_semaphore, #tpu.memory_space<semaphore_mem>>) attributes {dimension_semantics = [#tpu.dimension_semantics<core_parallel>, #tpu.dimension_semantics<subcore_parallel>], iteration_bounds = array<i64: 2, 16>, scalar_prefetch = 0 : i64, scratch_operands = 18 : i64, tpu.core_type = #tpu.core_type<sc_vector_subcore>, window_params = [{transform_indices = #map}, {transform_indices = #map1}, {transform_indices = #map1}, {transform_indices = #map}, {transform_indices = #map}, {transform_indices = #map}]} {
    %mul3A = arith.constant 2 : i32
    %mul3A_0 = arith.muli %arg1, %mul3A : i32
    %add3A = arith.addi %mul3A_0, %arg0 : i32
    %mul3A_1 = arith.constant 10368 : i32
    %mul3A_2 = arith.muli %add3A, %mul3A_1 : i32
    %mul3A_3 = arith.constant 632 : i32
    %mul3A_4 = arith.muli %arg1, %mul3A_3 : i32
    "tpu.region"() ({
      %run_scoped3A_125 = tpu.sem_alloc : memref<!tpu.dma_semaphore, #tpu.memory_space<semaphore_mem>>
      %dma_start3A_126 = arith.constant 0 : i32
      %dma_start3A_127 = tpu.memref_slice %arg13[%mul3A_4, %dma_start3A_126] : memref<10112x128xf32, #tpu.memory_space<vmem_shared>> -> memref<632x128xf32, #tpu.memory_space<vmem_shared>>
      tpu.enqueue_dma source(%arg5 : memref<632x128xf32, #tpu.memory_space<hbm>>) target(%dma_start3A_127 : memref<632x128xf32, #tpu.memory_space<vmem_shared>>) target_semaphore(%run_scoped3A_125 : memref<!tpu.dma_semaphore, #tpu.memory_space<semaphore_mem>>)
      %dma_wait3A_128 = arith.constant 0 : i32
      %dma_wait3A_129 = tpu.memref_slice %arg13[%mul3A_4, %dma_wait3A_128] : memref<10112x128xf32, #tpu.memory_space<vmem_shared>> -> memref<632x128xf32, #tpu.memory_space<vmem_shared>>
      tpu.wait_dma2 semaphore(%run_scoped3A_125 : memref<!tpu.dma_semaphore, #tpu.memory_space<semaphore_mem>>) src(%arg5 : memref<632x128xf32, #tpu.memory_space<hbm>>) dst(%dma_wait3A_129 : memref<632x128xf32, #tpu.memory_space<vmem_shared>>)
      tpu.yield
    }) : () -> ()
    %add3A_5 = arith.constant 0 : i32
    %add3A_6 = arith.addi %mul3A_2, %add3A_5 : i32
    %run_scoped3A = arith.constant 0 : i32
    "tpu.region"() ({
      %run_scoped3A_125 = tpu.sem_alloc : memref<!tpu.dma_semaphore, #tpu.memory_space<semaphore_mem>>
      %dma_start3A_126 = arith.constant 0 : i32
      %dma_start3A_127 = tpu.memref_slice %arg8[%run_scoped3A, %dma_start3A_126] : memref<3x128xi32, #tpu.memory_space<vmem>> -> memref<1x128xi32, #tpu.memory_space<vmem>>
      %dma_start3A_128 = tpu.memref_squeeze %dma_start3A_127 : memref<1x128xi32, #tpu.memory_space<vmem>> -> memref<128xi32, #tpu.memory_space<vmem>>
      %dma_start3A_129 = tpu.memref_slice %arg3[%add3A_6] : memref<331776xi32, #tpu.memory_space<hbm>> -> memref<128xi32, #tpu.memory_space<hbm>>
      %dma_start3A_130 = arith.constant 0 : i32
      %dma_start3A_131 = tpu.memref_slice %arg8[%run_scoped3A, %dma_start3A_130] : memref<3x128xi32, #tpu.memory_space<vmem>> -> memref<1x128xi32, #tpu.memory_space<vmem>>
      %dma_start3A_132 = tpu.memref_squeeze %dma_start3A_131 : memref<1x128xi32, #tpu.memory_space<vmem>> -> memref<128xi32, #tpu.memory_space<vmem>>
      %dma_start3A_133 = tpu.memref_slice %arg3[%add3A_6] : memref<331776xi32, #tpu.memory_space<hbm>> -> memref<128xi32, #tpu.memory_space<hbm>>
      tpu.enqueue_dma source(%dma_start3A_133 : memref<128xi32, #tpu.memory_space<hbm>>) target(%dma_start3A_132 : memref<128xi32, #tpu.memory_space<vmem>>) target_semaphore(%run_scoped3A_125 : memref<!tpu.dma_semaphore, #tpu.memory_space<semaphore_mem>>)
      %dma_wait3A_134 = arith.constant 0 : i32
      %dma_wait3A_135 = tpu.memref_slice %arg8[%run_scoped3A, %dma_wait3A_134] : memref<3x128xi32, #tpu.memory_space<vmem>> -> memref<1x128xi32, #tpu.memory_space<vmem>>
      %dma_wait3A_136 = tpu.memref_squeeze %dma_wait3A_135 : memref<1x128xi32, #tpu.memory_space<vmem>> -> memref<128xi32, #tpu.memory_space<vmem>>
      %dma_wait3A_137 = tpu.memref_slice %arg3[%add3A_6] : memref<331776xi32, #tpu.memory_space<hbm>> -> memref<128xi32, #tpu.memory_space<hbm>>
      %dma_wait3A_138 = arith.constant 0 : i32
      %dma_wait3A_139 = tpu.memref_slice %arg8[%run_scoped3A, %dma_wait3A_138] : memref<3x128xi32, #tpu.memory_space<vmem>> -> memref<1x128xi32, #tpu.memory_space<vmem>>
      %dma_wait3A_140 = tpu.memref_squeeze %dma_wait3A_139 : memref<1x128xi32, #tpu.memory_space<vmem>> -> memref<128xi32, #tpu.memory_space<vmem>>
      %dma_wait3A_141 = tpu.memref_slice %arg3[%add3A_6] : memref<331776xi32, #tpu.memory_space<hbm>> -> memref<128xi32, #tpu.memory_space<hbm>>
      tpu.wait_dma2 semaphore(%run_scoped3A_125 : memref<!tpu.dma_semaphore, #tpu.memory_space<semaphore_mem>>) src(%dma_wait3A_141 : memref<128xi32, #tpu.memory_space<hbm>>) dst(%dma_wait3A_140 : memref<128xi32, #tpu.memory_space<vmem>>)
      tpu.yield
    }) : () -> ()
    %add3A_7 = arith.constant 0 : i32
    %add3A_8 = arith.addi %mul3A_2, %add3A_7 : i32
    %dma_start3A = arith.constant 0 : i32
    %dma_start3A_9 = arith.constant 0 : i32
    %dma_start3A_10 = tpu.memref_slice %arg9[%dma_start3A, %dma_start3A_9] : memref<3x128xi32, #tpu.memory_space<vmem>> -> memref<1x128xi32, #tpu.memory_space<vmem>>
    %dma_start3A_11 = tpu.memref_squeeze %dma_start3A_10 : memref<1x128xi32, #tpu.memory_space<vmem>> -> memref<128xi32, #tpu.memory_space<vmem>>
    %dma_start3A_12 = tpu.memref_slice %arg4[%add3A_8] : memref<331776xi32, #tpu.memory_space<hbm>> -> memref<128xi32, #tpu.memory_space<hbm>>
    %dma_start3A_13 = arith.constant 0 : i32
    %dma_start3A_14 = tpu.memref_slice %arg9[%dma_start3A, %dma_start3A_13] : memref<3x128xi32, #tpu.memory_space<vmem>> -> memref<1x128xi32, #tpu.memory_space<vmem>>
    %dma_start3A_15 = tpu.memref_squeeze %dma_start3A_14 : memref<1x128xi32, #tpu.memory_space<vmem>> -> memref<128xi32, #tpu.memory_space<vmem>>
    %dma_start3A_16 = tpu.memref_slice %arg4[%add3A_8] : memref<331776xi32, #tpu.memory_space<hbm>> -> memref<128xi32, #tpu.memory_space<hbm>>
    tpu.enqueue_dma source(%dma_start3A_16 : memref<128xi32, #tpu.memory_space<hbm>>) target(%dma_start3A_15 : memref<128xi32, #tpu.memory_space<vmem>>) target_semaphore(%arg23 : memref<!tpu.dma_semaphore, #tpu.memory_space<semaphore_mem>>)
    %dma_start3A_17 = arith.constant 0 : i32
    %dma_start3A_18 = arith.constant 0 : i32
    %dma_start3A_19 = tpu.memref_slice %arg8[%dma_start3A_17, %dma_start3A_18] : memref<3x128xi32, #tpu.memory_space<vmem>> -> memref<1x128xi32, #tpu.memory_space<vmem>>
    %dma_start3A_20 = tpu.memref_squeeze %dma_start3A_19 : memref<1x128xi32, #tpu.memory_space<vmem>> -> memref<128xi32, #tpu.memory_space<vmem>>
    %dma_start3A_21 = arith.constant 0 : i32
    %dma_start3A_22 = arith.constant 0 : i32
    %dma_start3A_23 = tpu.memref_slice %arg2[%dma_start3A_21, %dma_start3A_22] : memref<10000x128xf32, #tpu.memory_space<hbm>> -> memref<10000x128xf32, #tpu.memory_space<hbm>>
    tpu.enqueue_indirect_dma source(%dma_start3A_23 : memref<10000x128xf32, #tpu.memory_space<hbm>>) target(%arg10 : memref<128x128xf32, #tpu.memory_space<vmem>>) offsets(%dma_start3A_20 : memref<128xi32, #tpu.memory_space<vmem>>) semaphore(%arg14 : memref<!tpu.dma_semaphore, #tpu.memory_space<semaphore_mem>>)
    %add3A_24 = arith.constant 128 : i32
    %add3A_25 = arith.addi %mul3A_2, %add3A_24 : i32
    %run_scoped3A_26 = arith.constant 1 : i32
    "tpu.region"() ({
      %run_scoped3A_125 = tpu.sem_alloc : memref<!tpu.dma_semaphore, #tpu.memory_space<semaphore_mem>>
      %dma_start3A_126 = arith.constant 0 : i32
      %dma_start3A_127 = tpu.memref_slice %arg8[%run_scoped3A_26, %dma_start3A_126] : memref<3x128xi32, #tpu.memory_space<vmem>> -> memref<1x128xi32, #tpu.memory_space<vmem>>
      %dma_start3A_128 = tpu.memref_squeeze %dma_start3A_127 : memref<1x128xi32, #tpu.memory_space<vmem>> -> memref<128xi32, #tpu.memory_space<vmem>>
      %dma_start3A_129 = tpu.memref_slice %arg3[%add3A_25] : memref<331776xi32, #tpu.memory_space<hbm>> -> memref<128xi32, #tpu.memory_space<hbm>>
      %dma_start3A_130 = arith.constant 0 : i32
      %dma_start3A_131 = tpu.memref_slice %arg8[%run_scoped3A_26, %dma_start3A_130] : memref<3x128xi32, #tpu.memory_space<vmem>> -> memref<1x128xi32, #tpu.memory_space<vmem>>
      %dma_start3A_132 = tpu.memref_squeeze %dma_start3A_131 : memref<1x128xi32, #tpu.memory_space<vmem>> -> memref<128xi32, #tpu.memory_space<vmem>>
      %dma_start3A_133 = tpu.memref_slice %arg3[%add3A_25] : memref<331776xi32, #tpu.memory_space<hbm>> -> memref<128xi32, #tpu.memory_space<hbm>>
      tpu.enqueue_dma source(%dma_start3A_133 : memref<128xi32, #tpu.memory_space<hbm>>) target(%dma_start3A_132 : memref<128xi32, #tpu.memory_space<vmem>>) target_semaphore(%run_scoped3A_125 : memref<!tpu.dma_semaphore, #tpu.memory_space<semaphore_mem>>)
      %dma_wait3A_134 = arith.constant 0 : i32
      %dma_wait3A_135 = tpu.memref_slice %arg8[%run_scoped3A_26, %dma_wait3A_134] : memref<3x128xi32, #tpu.memory_space<vmem>> -> memref<1x128xi32, #tpu.memory_space<vmem>>
      %dma_wait3A_136 = tpu.memref_squeeze %dma_wait3A_135 : memref<1x128xi32, #tpu.memory_space<vmem>> -> memref<128xi32, #tpu.memory_space<vmem>>
      %dma_wait3A_137 = tpu.memref_slice %arg3[%add3A_25] : memref<331776xi32, #tpu.memory_space<hbm>> -> memref<128xi32, #tpu.memory_space<hbm>>
      %dma_wait3A_138 = arith.constant 0 : i32
      %dma_wait3A_139 = tpu.memref_slice %arg8[%run_scoped3A_26, %dma_wait3A_138] : memref<3x128xi32, #tpu.memory_space<vmem>> -> memref<1x128xi32, #tpu.memory_space<vmem>>
      %dma_wait3A_140 = tpu.memref_squeeze %dma_wait3A_139 : memref<1x128xi32, #tpu.memory_space<vmem>> -> memref<128xi32, #tpu.memory_space<vmem>>
      %dma_wait3A_141 = tpu.memref_slice %arg3[%add3A_25] : memref<331776xi32, #tpu.memory_space<hbm>> -> memref<128xi32, #tpu.memory_space<hbm>>
      tpu.wait_dma2 semaphore(%run_scoped3A_125 : memref<!tpu.dma_semaphore, #tpu.memory_space<semaphore_mem>>) src(%dma_wait3A_141 : memref<128xi32, #tpu.memory_space<hbm>>) dst(%dma_wait3A_140 : memref<128xi32, #tpu.memory_space<vmem>>)
      tpu.yield
    }) : () -> ()
    %add3A_27 = arith.constant 128 : i32
    %add3A_28 = arith.addi %mul3A_2, %add3A_27 : i32
    %dma_start3A_29 = arith.constant 1 : i32
    %dma_start3A_30 = arith.constant 0 : i32
    %dma_start3A_31 = tpu.memref_slice %arg9[%dma_start3A_29, %dma_start3A_30] : memref<3x128xi32, #tpu.memory_space<vmem>> -> memref<1x128xi32, #tpu.memory_space<vmem>>
    %dma_start3A_32 = tpu.memref_squeeze %dma_start3A_31 : memref<1x128xi32, #tpu.memory_space<vmem>> -> memref<128xi32, #tpu.memory_space<vmem>>
    %dma_start3A_33 = tpu.memref_slice %arg4[%add3A_28] : memref<331776xi32, #tpu.memory_space<hbm>> -> memref<128xi32, #tpu.memory_space<hbm>>
    %dma_start3A_34 = arith.constant 0 : i32
    %dma_start3A_35 = tpu.memref_slice %arg9[%dma_start3A_29, %dma_start3A_34] : memref<3x128xi32, #tpu.memory_space<vmem>> -> memref<1x128xi32, #tpu.memory_space<vmem>>
    %dma_start3A_36 = tpu.memref_squeeze %dma_start3A_35 : memref<1x128xi32, #tpu.memory_space<vmem>> -> memref<128xi32, #tpu.memory_space<vmem>>
    %dma_start3A_37 = tpu.memref_slice %arg4[%add3A_28] : memref<331776xi32, #tpu.memory_space<hbm>> -> memref<128xi32, #tpu.memory_space<hbm>>
    tpu.enqueue_dma source(%dma_start3A_37 : memref<128xi32, #tpu.memory_space<hbm>>) target(%dma_start3A_36 : memref<128xi32, #tpu.memory_space<vmem>>) target_semaphore(%arg24 : memref<!tpu.dma_semaphore, #tpu.memory_space<semaphore_mem>>)
    %dma_start3A_38 = arith.constant 1 : i32
    %dma_start3A_39 = arith.constant 0 : i32
    %dma_start3A_40 = tpu.memref_slice %arg8[%dma_start3A_38, %dma_start3A_39] : memref<3x128xi32, #tpu.memory_space<vmem>> -> memref<1x128xi32, #tpu.memory_space<vmem>>
    %dma_start3A_41 = tpu.memref_squeeze %dma_start3A_40 : memref<1x128xi32, #tpu.memory_space<vmem>> -> memref<128xi32, #tpu.memory_space<vmem>>
    %dma_start3A_42 = arith.constant 0 : i32
    %dma_start3A_43 = arith.constant 0 : i32
    %dma_start3A_44 = tpu.memref_slice %arg2[%dma_start3A_42, %dma_start3A_43] : memref<10000x128xf32, #tpu.memory_space<hbm>> -> memref<10000x128xf32, #tpu.memory_space<hbm>>
    tpu.enqueue_indirect_dma source(%dma_start3A_44 : memref<10000x128xf32, #tpu.memory_space<hbm>>) target(%arg11 : memref<128x128xf32, #tpu.memory_space<vmem>>) offsets(%dma_start3A_41 : memref<128xi32, #tpu.memory_space<vmem>>) semaphore(%arg15 : memref<!tpu.dma_semaphore, #tpu.memory_space<semaphore_mem>>)
    %add3A_45 = arith.constant 256 : i32
    %add3A_46 = arith.addi %mul3A_2, %add3A_45 : i32
    %run_scoped3A_47 = arith.constant 2 : i32
    "tpu.region"() ({
      %run_scoped3A_125 = tpu.sem_alloc : memref<!tpu.dma_semaphore, #tpu.memory_space<semaphore_mem>>
      %dma_start3A_126 = arith.constant 0 : i32
      %dma_start3A_127 = tpu.memref_slice %arg8[%run_scoped3A_47, %dma_start3A_126] : memref<3x128xi32, #tpu.memory_space<vmem>> -> memref<1x128xi32, #tpu.memory_space<vmem>>
      %dma_start3A_128 = tpu.memref_squeeze %dma_start3A_127 : memref<1x128xi32, #tpu.memory_space<vmem>> -> memref<128xi32, #tpu.memory_space<vmem>>
      %dma_start3A_129 = tpu.memref_slice %arg3[%add3A_46] : memref<331776xi32, #tpu.memory_space<hbm>> -> memref<128xi32, #tpu.memory_space<hbm>>
      %dma_start3A_130 = arith.constant 0 : i32
      %dma_start3A_131 = tpu.memref_slice %arg8[%run_scoped3A_47, %dma_start3A_130] : memref<3x128xi32, #tpu.memory_space<vmem>> -> memref<1x128xi32, #tpu.memory_space<vmem>>
      %dma_start3A_132 = tpu.memref_squeeze %dma_start3A_131 : memref<1x128xi32, #tpu.memory_space<vmem>> -> memref<128xi32, #tpu.memory_space<vmem>>
      %dma_start3A_133 = tpu.memref_slice %arg3[%add3A_46] : memref<331776xi32, #tpu.memory_space<hbm>> -> memref<128xi32, #tpu.memory_space<hbm>>
      tpu.enqueue_dma source(%dma_start3A_133 : memref<128xi32, #tpu.memory_space<hbm>>) target(%dma_start3A_132 : memref<128xi32, #tpu.memory_space<vmem>>) target_semaphore(%run_scoped3A_125 : memref<!tpu.dma_semaphore, #tpu.memory_space<semaphore_mem>>)
      %dma_wait3A_134 = arith.constant 0 : i32
      %dma_wait3A_135 = tpu.memref_slice %arg8[%run_scoped3A_47, %dma_wait3A_134] : memref<3x128xi32, #tpu.memory_space<vmem>> -> memref<1x128xi32, #tpu.memory_space<vmem>>
      %dma_wait3A_136 = tpu.memref_squeeze %dma_wait3A_135 : memref<1x128xi32, #tpu.memory_space<vmem>> -> memref<128xi32, #tpu.memory_space<vmem>>
      %dma_wait3A_137 = tpu.memref_slice %arg3[%add3A_46] : memref<331776xi32, #tpu.memory_space<hbm>> -> memref<128xi32, #tpu.memory_space<hbm>>
      %dma_wait3A_138 = arith.constant 0 : i32
      %dma_wait3A_139 = tpu.memref_slice %arg8[%run_scoped3A_47, %dma_wait3A_138] : memref<3x128xi32, #tpu.memory_space<vmem>> -> memref<1x128xi32, #tpu.memory_space<vmem>>
      %dma_wait3A_140 = tpu.memref_squeeze %dma_wait3A_139 : memref<1x128xi32, #tpu.memory_space<vmem>> -> memref<128xi32, #tpu.memory_space<vmem>>
      %dma_wait3A_141 = tpu.memref_slice %arg3[%add3A_46] : memref<331776xi32, #tpu.memory_space<hbm>> -> memref<128xi32, #tpu.memory_space<hbm>>
      tpu.wait_dma2 semaphore(%run_scoped3A_125 : memref<!tpu.dma_semaphore, #tpu.memory_space<semaphore_mem>>) src(%dma_wait3A_141 : memref<128xi32, #tpu.memory_space<hbm>>) dst(%dma_wait3A_140 : memref<128xi32, #tpu.memory_space<vmem>>)
      tpu.yield
    }) : () -> ()
    %add3A_48 = arith.constant 256 : i32
    %add3A_49 = arith.addi %mul3A_2, %add3A_48 : i32
    %dma_start3A_50 = arith.constant 2 : i32
    %dma_start3A_51 = arith.constant 0 : i32
    %dma_start3A_52 = tpu.memref_slice %arg9[%dma_start3A_50, %dma_start3A_51] : memref<3x128xi32, #tpu.memory_space<vmem>> -> memref<1x128xi32, #tpu.memory_space<vmem>>
    %dma_start3A_53 = tpu.memref_squeeze %dma_start3A_52 : memref<1x128xi32, #tpu.memory_space<vmem>> -> memref<128xi32, #tpu.memory_space<vmem>>
    %dma_start3A_54 = tpu.memref_slice %arg4[%add3A_49] : memref<331776xi32, #tpu.memory_space<hbm>> -> memref<128xi32, #tpu.memory_space<hbm>>
    %dma_start3A_55 = arith.constant 0 : i32
    %dma_start3A_56 = tpu.memref_slice %arg9[%dma_start3A_50, %dma_start3A_55] : memref<3x128xi32, #tpu.memory_space<vmem>> -> memref<1x128xi32, #tpu.memory_space<vmem>>
    %dma_start3A_57 = tpu.memref_squeeze %dma_start3A_56 : memref<1x128xi32, #tpu.memory_space<vmem>> -> memref<128xi32, #tpu.memory_space<vmem>>
    %dma_start3A_58 = tpu.memref_slice %arg4[%add3A_49] : memref<331776xi32, #tpu.memory_space<hbm>> -> memref<128xi32, #tpu.memory_space<hbm>>
    tpu.enqueue_dma source(%dma_start3A_58 : memref<128xi32, #tpu.memory_space<hbm>>) target(%dma_start3A_57 : memref<128xi32, #tpu.memory_space<vmem>>) target_semaphore(%arg25 : memref<!tpu.dma_semaphore, #tpu.memory_space<semaphore_mem>>)
    %dma_start3A_59 = arith.constant 2 : i32
    %dma_start3A_60 = arith.constant 0 : i32
    %dma_start3A_61 = tpu.memref_slice %arg8[%dma_start3A_59, %dma_start3A_60] : memref<3x128xi32, #tpu.memory_space<vmem>> -> memref<1x128xi32, #tpu.memory_space<vmem>>
    %dma_start3A_62 = tpu.memref_squeeze %dma_start3A_61 : memref<1x128xi32, #tpu.memory_space<vmem>> -> memref<128xi32, #tpu.memory_space<vmem>>
    %dma_start3A_63 = arith.constant 0 : i32
    %dma_start3A_64 = arith.constant 0 : i32
    %dma_start3A_65 = tpu.memref_slice %arg2[%dma_start3A_63, %dma_start3A_64] : memref<10000x128xf32, #tpu.memory_space<hbm>> -> memref<10000x128xf32, #tpu.memory_space<hbm>>
    tpu.enqueue_indirect_dma source(%dma_start3A_65 : memref<10000x128xf32, #tpu.memory_space<hbm>>) target(%arg12 : memref<128x128xf32, #tpu.memory_space<vmem>>) offsets(%dma_start3A_62 : memref<128xi32, #tpu.memory_space<vmem>>) semaphore(%arg16 : memref<!tpu.dma_semaphore, #tpu.memory_space<semaphore_mem>>)
    %barrier3A = arith.constant 0 : index
    tpu.barrier barrier_id(%barrier3A)
    %scan3A = arith.constant 0 : i32
    %scan3A_66 = arith.constant 27 : i32
    %scan3A_67 = arith.addi %scan3A, %scan3A_66 : i32
    %scan3A_68 = arith.constant 1 : i32
    scf.for %scan3A_125 = %scan3A to %scan3A_67 step %scan3A_68  : i32 {
      %mul3A_126 = arith.constant 3 : i32
      %mul3A_127 = arith.muli %scan3A_125, %mul3A_126 : i32
      %add3A_128 = arith.constant 0 : i32
      %add3A_129 = arith.addi %add3A_128, %mul3A_127 : i32
      %add3A_130 = arith.constant 3 : i32
      %add3A_131 = arith.addi %add3A_129, %add3A_130 : i32
      %add3A_132 = arith.constant 0 : i32
      %add3A_133 = arith.addi %add3A_131, %add3A_132 : i32
      %rem3A = arith.constant 81 : i32
      %rem3A_134 = arith.remsi %add3A_133, %rem3A : i32
      %mul3A_135 = arith.constant 128 : i32
      %mul3A_136 = arith.muli %rem3A_134, %mul3A_135 : i32
      %add3A_137 = arith.addi %mul3A_2, %mul3A_136 : i32
      %dma_wait3A_138 = arith.constant 0 : i32
      %dma_wait3A_139 = arith.constant 0 : i32
      %dma_wait3A_140 = tpu.memref_slice %arg8[%dma_wait3A_138, %dma_wait3A_139] : memref<3x128xi32, #tpu.memory_space<vmem>> -> memref<1x128xi32, #tpu.memory_space<vmem>>
      %dma_wait3A_141 = tpu.memref_squeeze %dma_wait3A_140 : memref<1x128xi32, #tpu.memory_space<vmem>> -> memref<128xi32, #tpu.memory_space<vmem>>
      %dma_wait3A_142 = arith.constant 0 : i32
      %dma_wait3A_143 = arith.constant 0 : i32
      %dma_wait3A_144 = tpu.memref_slice %arg2[%dma_wait3A_142, %dma_wait3A_143] : memref<10000x128xf32, #tpu.memory_space<hbm>> -> memref<10000x128xf32, #tpu.memory_space<hbm>>
      tpu.wait_indirect_dma semaphore(%arg14 : memref<!tpu.dma_semaphore, #tpu.memory_space<semaphore_mem>>) src(%dma_wait3A_144 : memref<10000x128xf32, #tpu.memory_space<hbm>>) dst(%arg10 : memref<128x128xf32, #tpu.memory_space<vmem>>)
      %dma_wait3A_145 = arith.constant 0 : i32
      %dma_wait3A_146 = arith.constant 0 : i32
      %dma_wait3A_147 = tpu.memref_slice %arg9[%dma_wait3A_145, %dma_wait3A_146] : memref<3x128xi32, #tpu.memory_space<vmem>> -> memref<1x128xi32, #tpu.memory_space<vmem>>
      %dma_wait3A_148 = tpu.memref_squeeze %dma_wait3A_147 : memref<1x128xi32, #tpu.memory_space<vmem>> -> memref<128xi32, #tpu.memory_space<vmem>>
      %dma_wait3A_149 = tpu.memref_slice %arg4[%add3A_137] : memref<331776xi32, #tpu.memory_space<hbm>> -> memref<128xi32, #tpu.memory_space<hbm>>
      %dma_wait3A_150 = arith.constant 0 : i32
      %dma_wait3A_151 = tpu.memref_slice %arg9[%dma_wait3A_145, %dma_wait3A_150] : memref<3x128xi32, #tpu.memory_space<vmem>> -> memref<1x128xi32, #tpu.memory_space<vmem>>
      %dma_wait3A_152 = tpu.memref_squeeze %dma_wait3A_151 : memref<1x128xi32, #tpu.memory_space<vmem>> -> memref<128xi32, #tpu.memory_space<vmem>>
      %dma_wait3A_153 = tpu.memref_slice %arg4[%add3A_137] : memref<331776xi32, #tpu.memory_space<hbm>> -> memref<128xi32, #tpu.memory_space<hbm>>
      tpu.wait_dma2 semaphore(%arg23 : memref<!tpu.dma_semaphore, #tpu.memory_space<semaphore_mem>>) src(%dma_wait3A_153 : memref<128xi32, #tpu.memory_space<hbm>>) dst(%dma_wait3A_152 : memref<128xi32, #tpu.memory_space<vmem>>)
      %dma_start3A_154 = arith.constant 0 : i32
      %dma_start3A_155 = arith.constant 0 : i32
      %dma_start3A_156 = tpu.memref_slice %arg9[%dma_start3A_154, %dma_start3A_155] : memref<3x128xi32, #tpu.memory_space<vmem>> -> memref<1x128xi32, #tpu.memory_space<vmem>>
      %dma_start3A_157 = tpu.memref_squeeze %dma_start3A_156 : memref<1x128xi32, #tpu.memory_space<vmem>> -> memref<128xi32, #tpu.memory_space<vmem>>
      %dma_start3A_158 = arith.constant 0 : i32
      %dma_start3A_159 = arith.constant 0 : i32
      %dma_start3A_160 = tpu.memref_slice %arg13[%dma_start3A_158, %dma_start3A_159] : memref<10112x128xf32, #tpu.memory_space<vmem_shared>> -> memref<10112x128xf32, #tpu.memory_space<vmem_shared>>
      tpu.enqueue_indirect_dma source(%arg10 : memref<128x128xf32, #tpu.memory_space<vmem>>) target(%dma_start3A_160 : memref<10112x128xf32, #tpu.memory_space<vmem_shared>>) offsets(%dma_start3A_157 : memref<128xi32, #tpu.memory_space<vmem>>) semaphore(%arg17 : memref<!tpu.dma_semaphore, #tpu.memory_space<semaphore_mem>>) {add = true}
      %dma_start3A_161 = arith.constant 0 : i32
      %dma_start3A_162 = arith.constant 0 : i32
      %dma_start3A_163 = tpu.memref_slice %arg8[%dma_start3A_161, %dma_start3A_162] : memref<3x128xi32, #tpu.memory_space<vmem>> -> memref<1x128xi32, #tpu.memory_space<vmem>>
      %dma_start3A_164 = tpu.memref_squeeze %dma_start3A_163 : memref<1x128xi32, #tpu.memory_space<vmem>> -> memref<128xi32, #tpu.memory_space<vmem>>
      %dma_start3A_165 = tpu.memref_slice %arg3[%add3A_137] : memref<331776xi32, #tpu.memory_space<hbm>> -> memref<128xi32, #tpu.memory_space<hbm>>
      %dma_start3A_166 = arith.constant 0 : i32
      %dma_start3A_167 = tpu.memref_slice %arg8[%dma_start3A_161, %dma_start3A_166] : memref<3x128xi32, #tpu.memory_space<vmem>> -> memref<1x128xi32, #tpu.memory_space<vmem>>
      %dma_start3A_168 = tpu.memref_squeeze %dma_start3A_167 : memref<1x128xi32, #tpu.memory_space<vmem>> -> memref<128xi32, #tpu.memory_space<vmem>>
      %dma_start3A_169 = tpu.memref_slice %arg3[%add3A_137] : memref<331776xi32, #tpu.memory_space<hbm>> -> memref<128xi32, #tpu.memory_space<hbm>>
      tpu.enqueue_dma source(%dma_start3A_169 : memref<128xi32, #tpu.memory_space<hbm>>) target(%dma_start3A_168 : memref<128xi32, #tpu.memory_space<vmem>>) target_semaphore(%arg20 : memref<!tpu.dma_semaphore, #tpu.memory_space<semaphore_mem>>)
      %add3A_170 = arith.constant 3 : i32
      %add3A_171 = arith.addi %add3A_129, %add3A_170 : i32
      %add3A_172 = arith.constant 1 : i32
      %add3A_173 = arith.addi %add3A_171, %add3A_172 : i32
      %rem3A_174 = arith.constant 81 : i32
      %rem3A_175 = arith.remsi %add3A_173, %rem3A_174 : i32
      %mul3A_176 = arith.constant 128 : i32
      %mul3A_177 = arith.muli %rem3A_175, %mul3A_176 : i32
      %add3A_178 = arith.addi %mul3A_2, %mul3A_177 : i32
      %dma_wait3A_179 = arith.constant 1 : i32
      %dma_wait3A_180 = arith.constant 0 : i32
      %dma_wait3A_181 = tpu.memref_slice %arg8[%dma_wait3A_179, %dma_wait3A_180] : memref<3x128xi32, #tpu.memory_space<vmem>> -> memref<1x128xi32, #tpu.memory_space<vmem>>
      %dma_wait3A_182 = tpu.memref_squeeze %dma_wait3A_181 : memref<1x128xi32, #tpu.memory_space<vmem>> -> memref<128xi32, #tpu.memory_space<vmem>>
      %dma_wait3A_183 = arith.constant 0 : i32
      %dma_wait3A_184 = arith.constant 0 : i32
      %dma_wait3A_185 = tpu.memref_slice %arg2[%dma_wait3A_183, %dma_wait3A_184] : memref<10000x128xf32, #tpu.memory_space<hbm>> -> memref<10000x128xf32, #tpu.memory_space<hbm>>
      tpu.wait_indirect_dma semaphore(%arg15 : memref<!tpu.dma_semaphore, #tpu.memory_space<semaphore_mem>>) src(%dma_wait3A_185 : memref<10000x128xf32, #tpu.memory_space<hbm>>) dst(%arg11 : memref<128x128xf32, #tpu.memory_space<vmem>>)
      %dma_wait3A_186 = arith.constant 1 : i32
      %dma_wait3A_187 = arith.constant 0 : i32
      %dma_wait3A_188 = tpu.memref_slice %arg9[%dma_wait3A_186, %dma_wait3A_187] : memref<3x128xi32, #tpu.memory_space<vmem>> -> memref<1x128xi32, #tpu.memory_space<vmem>>
      %dma_wait3A_189 = tpu.memref_squeeze %dma_wait3A_188 : memref<1x128xi32, #tpu.memory_space<vmem>> -> memref<128xi32, #tpu.memory_space<vmem>>
      %dma_wait3A_190 = tpu.memref_slice %arg4[%add3A_178] : memref<331776xi32, #tpu.memory_space<hbm>> -> memref<128xi32, #tpu.memory_space<hbm>>
      %dma_wait3A_191 = arith.constant 0 : i32
      %dma_wait3A_192 = tpu.memref_slice %arg9[%dma_wait3A_186, %dma_wait3A_191] : memref<3x128xi32, #tpu.memory_space<vmem>> -> memref<1x128xi32, #tpu.memory_space<vmem>>
      %dma_wait3A_193 = tpu.memref_squeeze %dma_wait3A_192 : memref<1x128xi32, #tpu.memory_space<vmem>> -> memref<128xi32, #tpu.memory_space<vmem>>
      %dma_wait3A_194 = tpu.memref_slice %arg4[%add3A_178] : memref<331776xi32, #tpu.memory_space<hbm>> -> memref<128xi32, #tpu.memory_space<hbm>>
      tpu.wait_dma2 semaphore(%arg24 : memref<!tpu.dma_semaphore, #tpu.memory_space<semaphore_mem>>) src(%dma_wait3A_194 : memref<128xi32, #tpu.memory_space<hbm>>) dst(%dma_wait3A_193 : memref<128xi32, #tpu.memory_space<vmem>>)
      %dma_start3A_195 = arith.constant 1 : i32
      %dma_start3A_196 = arith.constant 0 : i32
      %dma_start3A_197 = tpu.memref_slice %arg9[%dma_start3A_195, %dma_start3A_196] : memref<3x128xi32, #tpu.memory_space<vmem>> -> memref<1x128xi32, #tpu.memory_space<vmem>>
      %dma_start3A_198 = tpu.memref_squeeze %dma_start3A_197 : memref<1x128xi32, #tpu.memory_space<vmem>> -> memref<128xi32, #tpu.memory_space<vmem>>
      %dma_start3A_199 = arith.constant 0 : i32
      %dma_start3A_200 = arith.constant 0 : i32
      %dma_start3A_201 = tpu.memref_slice %arg13[%dma_start3A_199, %dma_start3A_200] : memref<10112x128xf32, #tpu.memory_space<vmem_shared>> -> memref<10112x128xf32, #tpu.memory_space<vmem_shared>>
      tpu.enqueue_indirect_dma source(%arg11 : memref<128x128xf32, #tpu.memory_space<vmem>>) target(%dma_start3A_201 : memref<10112x128xf32, #tpu.memory_space<vmem_shared>>) offsets(%dma_start3A_198 : memref<128xi32, #tpu.memory_space<vmem>>) semaphore(%arg18 : memref<!tpu.dma_semaphore, #tpu.memory_space<semaphore_mem>>) {add = true}
      %dma_start3A_202 = arith.constant 1 : i32
      %dma_start3A_203 = arith.constant 0 : i32
      %dma_start3A_204 = tpu.memref_slice %arg8[%dma_start3A_202, %dma_start3A_203] : memref<3x128xi32, #tpu.memory_space<vmem>> -> memref<1x128xi32, #tpu.memory_space<vmem>>
      %dma_start3A_205 = tpu.memref_squeeze %dma_start3A_204 : memref<1x128xi32, #tpu.memory_space<vmem>> -> memref<128xi32, #tpu.memory_space<vmem>>
      %dma_start3A_206 = tpu.memref_slice %arg3[%add3A_178] : memref<331776xi32, #tpu.memory_space<hbm>> -> memref<128xi32, #tpu.memory_space<hbm>>
      %dma_start3A_207 = arith.constant 0 : i32
      %dma_start3A_208 = tpu.memref_slice %arg8[%dma_start3A_202, %dma_start3A_207] : memref<3x128xi32, #tpu.memory_space<vmem>> -> memref<1x128xi32, #tpu.memory_space<vmem>>
      %dma_start3A_209 = tpu.memref_squeeze %dma_start3A_208 : memref<1x128xi32, #tpu.memory_space<vmem>> -> memref<128xi32, #tpu.memory_space<vmem>>
      %dma_start3A_210 = tpu.memref_slice %arg3[%add3A_178] : memref<331776xi32, #tpu.memory_space<hbm>> -> memref<128xi32, #tpu.memory_space<hbm>>
      tpu.enqueue_dma source(%dma_start3A_210 : memref<128xi32, #tpu.memory_space<hbm>>) target(%dma_start3A_209 : memref<128xi32, #tpu.memory_space<vmem>>) target_semaphore(%arg21 : memref<!tpu.dma_semaphore, #tpu.memory_space<semaphore_mem>>)
      %add3A_211 = arith.constant 3 : i32
      %add3A_212 = arith.addi %add3A_129, %add3A_211 : i32
      %add3A_213 = arith.constant 2 : i32
      %add3A_214 = arith.addi %add3A_212, %add3A_213 : i32
      %rem3A_215 = arith.constant 81 : i32
      %rem3A_216 = arith.remsi %add3A_214, %rem3A_215 : i32
      %mul3A_217 = arith.constant 128 : i32
      %mul3A_218 = arith.muli %rem3A_216, %mul3A_217 : i32
      %add3A_219 = arith.addi %mul3A_2, %mul3A_218 : i32
      %dma_wait3A_220 = arith.constant 2 : i32
      %dma_wait3A_221 = arith.constant 0 : i32
      %dma_wait3A_222 = tpu.memref_slice %arg8[%dma_wait3A_220, %dma_wait3A_221] : memref<3x128xi32, #tpu.memory_space<vmem>> -> memref<1x128xi32, #tpu.memory_space<vmem>>
      %dma_wait3A_223 = tpu.memref_squeeze %dma_wait3A_222 : memref<1x128xi32, #tpu.memory_space<vmem>> -> memref<128xi32, #tpu.memory_space<vmem>>
      %dma_wait3A_224 = arith.constant 0 : i32
      %dma_wait3A_225 = arith.constant 0 : i32
      %dma_wait3A_226 = tpu.memref_slice %arg2[%dma_wait3A_224, %dma_wait3A_225] : memref<10000x128xf32, #tpu.memory_space<hbm>> -> memref<10000x128xf32, #tpu.memory_space<hbm>>
      tpu.wait_indirect_dma semaphore(%arg16 : memref<!tpu.dma_semaphore, #tpu.memory_space<semaphore_mem>>) src(%dma_wait3A_226 : memref<10000x128xf32, #tpu.memory_space<hbm>>) dst(%arg12 : memref<128x128xf32, #tpu.memory_space<vmem>>)
      %dma_wait3A_227 = arith.constant 2 : i32
      %dma_wait3A_228 = arith.constant 0 : i32
      %dma_wait3A_229 = tpu.memref_slice %arg9[%dma_wait3A_227, %dma_wait3A_228] : memref<3x128xi32, #tpu.memory_space<vmem>> -> memref<1x128xi32, #tpu.memory_space<vmem>>
      %dma_wait3A_230 = tpu.memref_squeeze %dma_wait3A_229 : memref<1x128xi32, #tpu.memory_space<vmem>> -> memref<128xi32, #tpu.memory_space<vmem>>
      %dma_wait3A_231 = tpu.memref_slice %arg4[%add3A_219] : memref<331776xi32, #tpu.memory_space<hbm>> -> memref<128xi32, #tpu.memory_space<hbm>>
      %dma_wait3A_232 = arith.constant 0 : i32
      %dma_wait3A_233 = tpu.memref_slice %arg9[%dma_wait3A_227, %dma_wait3A_232] : memref<3x128xi32, #tpu.memory_space<vmem>> -> memref<1x128xi32, #tpu.memory_space<vmem>>
      %dma_wait3A_234 = tpu.memref_squeeze %dma_wait3A_233 : memref<1x128xi32, #tpu.memory_space<vmem>> -> memref<128xi32, #tpu.memory_space<vmem>>
      %dma_wait3A_235 = tpu.memref_slice %arg4[%add3A_219] : memref<331776xi32, #tpu.memory_space<hbm>> -> memref<128xi32, #tpu.memory_space<hbm>>
      tpu.wait_dma2 semaphore(%arg25 : memref<!tpu.dma_semaphore, #tpu.memory_space<semaphore_mem>>) src(%dma_wait3A_235 : memref<128xi32, #tpu.memory_space<hbm>>) dst(%dma_wait3A_234 : memref<128xi32, #tpu.memory_space<vmem>>)
      %dma_start3A_236 = arith.constant 2 : i32
      %dma_start3A_237 = arith.constant 0 : i32
      %dma_start3A_238 = tpu.memref_slice %arg9[%dma_start3A_236, %dma_start3A_237] : memref<3x128xi32, #tpu.memory_space<vmem>> -> memref<1x128xi32, #tpu.memory_space<vmem>>
      %dma_start3A_239 = tpu.memref_squeeze %dma_start3A_238 : memref<1x128xi32, #tpu.memory_space<vmem>> -> memref<128xi32, #tpu.memory_space<vmem>>
      %dma_start3A_240 = arith.constant 0 : i32
      %dma_start3A_241 = arith.constant 0 : i32
      %dma_start3A_242 = tpu.memref_slice %arg13[%dma_start3A_240, %dma_start3A_241] : memref<10112x128xf32, #tpu.memory_space<vmem_shared>> -> memref<10112x128xf32, #tpu.memory_space<vmem_shared>>
      tpu.enqueue_indirect_dma source(%arg12 : memref<128x128xf32, #tpu.memory_space<vmem>>) target(%dma_start3A_242 : memref<10112x128xf32, #tpu.memory_space<vmem_shared>>) offsets(%dma_start3A_239 : memref<128xi32, #tpu.memory_space<vmem>>) semaphore(%arg19 : memref<!tpu.dma_semaphore, #tpu.memory_space<semaphore_mem>>) {add = true}
      %dma_start3A_243 = arith.constant 2 : i32
      %dma_start3A_244 = arith.constant 0 : i32
      %dma_start3A_245 = tpu.memref_slice %arg8[%dma_start3A_243, %dma_start3A_244] : memref<3x128xi32, #tpu.memory_space<vmem>> -> memref<1x128xi32, #tpu.memory_space<vmem>>
      %dma_start3A_246 = tpu.memref_squeeze %dma_start3A_245 : memref<1x128xi32, #tpu.memory_space<vmem>> -> memref<128xi32, #tpu.memory_space<vmem>>
      %dma_start3A_247 = tpu.memref_slice %arg3[%add3A_219] : memref<331776xi32, #tpu.memory_space<hbm>> -> memref<128xi32, #tpu.memory_space<hbm>>
      %dma_start3A_248 = arith.constant 0 : i32
      %dma_start3A_249 = tpu.memref_slice %arg8[%dma_start3A_243, %dma_start3A_248] : memref<3x128xi32, #tpu.memory_space<vmem>> -> memref<1x128xi32, #tpu.memory_space<vmem>>
      %dma_start3A_250 = tpu.memref_squeeze %dma_start3A_249 : memref<1x128xi32, #tpu.memory_space<vmem>> -> memref<128xi32, #tpu.memory_space<vmem>>
      %dma_start3A_251 = tpu.memref_slice %arg3[%add3A_219] : memref<331776xi32, #tpu.memory_space<hbm>> -> memref<128xi32, #tpu.memory_space<hbm>>
      tpu.enqueue_dma source(%dma_start3A_251 : memref<128xi32, #tpu.memory_space<hbm>>) target(%dma_start3A_250 : memref<128xi32, #tpu.memory_space<vmem>>) target_semaphore(%arg22 : memref<!tpu.dma_semaphore, #tpu.memory_space<semaphore_mem>>)
      %add3A_252 = arith.constant 3 : i32
      %add3A_253 = arith.addi %add3A_129, %add3A_252 : i32
      %add3A_254 = arith.constant 0 : i32
      %add3A_255 = arith.addi %add3A_253, %add3A_254 : i32
      %rem3A_256 = arith.constant 81 : i32
      %rem3A_257 = arith.remsi %add3A_255, %rem3A_256 : i32
      %mul3A_258 = arith.constant 128 : i32
      %mul3A_259 = arith.muli %rem3A_257, %mul3A_258 : i32
      %add3A_260 = arith.addi %mul3A_2, %mul3A_259 : i32
      %dma_wait3A_261 = arith.constant 0 : i32
      %dma_wait3A_262 = arith.constant 0 : i32
      %dma_wait3A_263 = tpu.memref_slice %arg9[%dma_wait3A_261, %dma_wait3A_262] : memref<3x128xi32, #tpu.memory_space<vmem>> -> memref<1x128xi32, #tpu.memory_space<vmem>>
      %dma_wait3A_264 = tpu.memref_squeeze %dma_wait3A_263 : memref<1x128xi32, #tpu.memory_space<vmem>> -> memref<128xi32, #tpu.memory_space<vmem>>
      %dma_wait3A_265 = arith.constant 0 : i32
      %dma_wait3A_266 = arith.constant 0 : i32
      %dma_wait3A_267 = tpu.memref_slice %arg13[%dma_wait3A_265, %dma_wait3A_266] : memref<10112x128xf32, #tpu.memory_space<vmem_shared>> -> memref<10112x128xf32, #tpu.memory_space<vmem_shared>>
      tpu.wait_indirect_dma semaphore(%arg17 : memref<!tpu.dma_semaphore, #tpu.memory_space<semaphore_mem>>) src(%arg10 : memref<128x128xf32, #tpu.memory_space<vmem>>) dst(%dma_wait3A_267 : memref<10112x128xf32, #tpu.memory_space<vmem_shared>>)
      %dma_start3A_268 = arith.constant 0 : i32
      %dma_start3A_269 = arith.constant 0 : i32
      %dma_start3A_270 = tpu.memref_slice %arg9[%dma_start3A_268, %dma_start3A_269] : memref<3x128xi32, #tpu.memory_space<vmem>> -> memref<1x128xi32, #tpu.memory_space<vmem>>
      %dma_start3A_271 = tpu.memref_squeeze %dma_start3A_270 : memref<1x128xi32, #tpu.memory_space<vmem>> -> memref<128xi32, #tpu.memory_space<vmem>>
      %dma_start3A_272 = tpu.memref_slice %arg4[%add3A_260] : memref<331776xi32, #tpu.memory_space<hbm>> -> memref<128xi32, #tpu.memory_space<hbm>>
      %dma_start3A_273 = arith.constant 0 : i32
      %dma_start3A_274 = tpu.memref_slice %arg9[%dma_start3A_268, %dma_start3A_273] : memref<3x128xi32, #tpu.memory_space<vmem>> -> memref<1x128xi32, #tpu.memory_space<vmem>>
      %dma_start3A_275 = tpu.memref_squeeze %dma_start3A_274 : memref<1x128xi32, #tpu.memory_space<vmem>> -> memref<128xi32, #tpu.memory_space<vmem>>
      %dma_start3A_276 = tpu.memref_slice %arg4[%add3A_260] : memref<331776xi32, #tpu.memory_space<hbm>> -> memref<128xi32, #tpu.memory_space<hbm>>
      tpu.enqueue_dma source(%dma_start3A_276 : memref<128xi32, #tpu.memory_space<hbm>>) target(%dma_start3A_275 : memref<128xi32, #tpu.memory_space<vmem>>) target_semaphore(%arg23 : memref<!tpu.dma_semaphore, #tpu.memory_space<semaphore_mem>>)
      %dma_wait3A_277 = arith.constant 0 : i32
      %dma_wait3A_278 = arith.constant 0 : i32
      %dma_wait3A_279 = tpu.memref_slice %arg8[%dma_wait3A_277, %dma_wait3A_278] : memref<3x128xi32, #tpu.memory_space<vmem>> -> memref<1x128xi32, #tpu.memory_space<vmem>>
      %dma_wait3A_280 = tpu.memref_squeeze %dma_wait3A_279 : memref<1x128xi32, #tpu.memory_space<vmem>> -> memref<128xi32, #tpu.memory_space<vmem>>
      %dma_wait3A_281 = tpu.memref_slice %arg3[%add3A_260] : memref<331776xi32, #tpu.memory_space<hbm>> -> memref<128xi32, #tpu.memory_space<hbm>>
      %dma_wait3A_282 = arith.constant 0 : i32
      %dma_wait3A_283 = tpu.memref_slice %arg8[%dma_wait3A_277, %dma_wait3A_282] : memref<3x128xi32, #tpu.memory_space<vmem>> -> memref<1x128xi32, #tpu.memory_space<vmem>>
      %dma_wait3A_284 = tpu.memref_squeeze %dma_wait3A_283 : memref<1x128xi32, #tpu.memory_space<vmem>> -> memref<128xi32, #tpu.memory_space<vmem>>
      %dma_wait3A_285 = tpu.memref_slice %arg3[%add3A_260] : memref<331776xi32, #tpu.memory_space<hbm>> -> memref<128xi32, #tpu.memory_space<hbm>>
      tpu.wait_dma2 semaphore(%arg20 : memref<!tpu.dma_semaphore, #tpu.memory_space<semaphore_mem>>) src(%dma_wait3A_285 : memref<128xi32, #tpu.memory_space<hbm>>) dst(%dma_wait3A_284 : memref<128xi32, #tpu.memory_space<vmem>>)
      %dma_start3A_286 = arith.constant 0 : i32
      %dma_start3A_287 = arith.constant 0 : i32
      %dma_start3A_288 = tpu.memref_slice %arg8[%dma_start3A_286, %dma_start3A_287] : memref<3x128xi32, #tpu.memory_space<vmem>> -> memref<1x128xi32, #tpu.memory_space<vmem>>
      %dma_start3A_289 = tpu.memref_squeeze %dma_start3A_288 : memref<1x128xi32, #tpu.memory_space<vmem>> -> memref<128xi32, #tpu.memory_space<vmem>>
      %dma_start3A_290 = arith.constant 0 : i32
      %dma_start3A_291 = arith.constant 0 : i32
      %dma_start3A_292 = tpu.memref_slice %arg2[%dma_start3A_290, %dma_start3A_291] : memref<10000x128xf32, #tpu.memory_space<hbm>> -> memref<10000x128xf32, #tpu.memory_space<hbm>>
      tpu.enqueue_indirect_dma source(%dma_start3A_292 : memref<10000x128xf32, #tpu.memory_space<hbm>>) target(%arg10 : memref<128x128xf32, #tpu.memory_space<vmem>>) offsets(%dma_start3A_289 : memref<128xi32, #tpu.memory_space<vmem>>) semaphore(%arg14 : memref<!tpu.dma_semaphore, #tpu.memory_space<semaphore_mem>>)
      %add3A_293 = arith.constant 3 : i32
      %add3A_294 = arith.addi %add3A_129, %add3A_293 : i32
      %add3A_295 = arith.constant 1 : i32
      %add3A_296 = arith.addi %add3A_294, %add3A_295 : i32
      %rem3A_297 = arith.constant 81 : i32
      %rem3A_298 = arith.remsi %add3A_296, %rem3A_297 : i32
      %mul3A_299 = arith.constant 128 : i32
      %mul3A_300 = arith.muli %rem3A_298, %mul3A_299 : i32
      %add3A_301 = arith.addi %mul3A_2, %mul3A_300 : i32
      %dma_wait3A_302 = arith.constant 1 : i32
      %dma_wait3A_303 = arith.constant 0 : i32
      %dma_wait3A_304 = tpu.memref_slice %arg9[%dma_wait3A_302, %dma_wait3A_303] : memref<3x128xi32, #tpu.memory_space<vmem>> -> memref<1x128xi32, #tpu.memory_space<vmem>>
      %dma_wait3A_305 = tpu.memref_squeeze %dma_wait3A_304 : memref<1x128xi32, #tpu.memory_space<vmem>> -> memref<128xi32, #tpu.memory_space<vmem>>
      %dma_wait3A_306 = arith.constant 0 : i32
      %dma_wait3A_307 = arith.constant 0 : i32
      %dma_wait3A_308 = tpu.memref_slice %arg13[%dma_wait3A_306, %dma_wait3A_307] : memref<10112x128xf32, #tpu.memory_space<vmem_shared>> -> memref<10112x128xf32, #tpu.memory_space<vmem_shared>>
      tpu.wait_indirect_dma semaphore(%arg18 : memref<!tpu.dma_semaphore, #tpu.memory_space<semaphore_mem>>) src(%arg11 : memref<128x128xf32, #tpu.memory_space<vmem>>) dst(%dma_wait3A_308 : memref<10112x128xf32, #tpu.memory_space<vmem_shared>>)
      %dma_start3A_309 = arith.constant 1 : i32
      %dma_start3A_310 = arith.constant 0 : i32
      %dma_start3A_311 = tpu.memref_slice %arg9[%dma_start3A_309, %dma_start3A_310] : memref<3x128xi32, #tpu.memory_space<vmem>> -> memref<1x128xi32, #tpu.memory_space<vmem>>
      %dma_start3A_312 = tpu.memref_squeeze %dma_start3A_311 : memref<1x128xi32, #tpu.memory_space<vmem>> -> memref<128xi32, #tpu.memory_space<vmem>>
      %dma_start3A_313 = tpu.memref_slice %arg4[%add3A_301] : memref<331776xi32, #tpu.memory_space<hbm>> -> memref<128xi32, #tpu.memory_space<hbm>>
      %dma_start3A_314 = arith.constant 0 : i32
      %dma_start3A_315 = tpu.memref_slice %arg9[%dma_start3A_309, %dma_start3A_314] : memref<3x128xi32, #tpu.memory_space<vmem>> -> memref<1x128xi32, #tpu.memory_space<vmem>>
      %dma_start3A_316 = tpu.memref_squeeze %dma_start3A_315 : memref<1x128xi32, #tpu.memory_space<vmem>> -> memref<128xi32, #tpu.memory_space<vmem>>
      %dma_start3A_317 = tpu.memref_slice %arg4[%add3A_301] : memref<331776xi32, #tpu.memory_space<hbm>> -> memref<128xi32, #tpu.memory_space<hbm>>
      tpu.enqueue_dma source(%dma_start3A_317 : memref<128xi32, #tpu.memory_space<hbm>>) target(%dma_start3A_316 : memref<128xi32, #tpu.memory_space<vmem>>) target_semaphore(%arg24 : memref<!tpu.dma_semaphore, #tpu.memory_space<semaphore_mem>>)
      %dma_wait3A_318 = arith.constant 1 : i32
      %dma_wait3A_319 = arith.constant 0 : i32
      %dma_wait3A_320 = tpu.memref_slice %arg8[%dma_wait3A_318, %dma_wait3A_319] : memref<3x128xi32, #tpu.memory_space<vmem>> -> memref<1x128xi32, #tpu.memory_space<vmem>>
      %dma_wait3A_321 = tpu.memref_squeeze %dma_wait3A_320 : memref<1x128xi32, #tpu.memory_space<vmem>> -> memref<128xi32, #tpu.memory_space<vmem>>
      %dma_wait3A_322 = tpu.memref_slice %arg3[%add3A_301] : memref<331776xi32, #tpu.memory_space<hbm>> -> memref<128xi32, #tpu.memory_space<hbm>>
      %dma_wait3A_323 = arith.constant 0 : i32
      %dma_wait3A_324 = tpu.memref_slice %arg8[%dma_wait3A_318, %dma_wait3A_323] : memref<3x128xi32, #tpu.memory_space<vmem>> -> memref<1x128xi32, #tpu.memory_space<vmem>>
      %dma_wait3A_325 = tpu.memref_squeeze %dma_wait3A_324 : memref<1x128xi32, #tpu.memory_space<vmem>> -> memref<128xi32, #tpu.memory_space<vmem>>
      %dma_wait3A_326 = tpu.memref_slice %arg3[%add3A_301] : memref<331776xi32, #tpu.memory_space<hbm>> -> memref<128xi32, #tpu.memory_space<hbm>>
      tpu.wait_dma2 semaphore(%arg21 : memref<!tpu.dma_semaphore, #tpu.memory_space<semaphore_mem>>) src(%dma_wait3A_326 : memref<128xi32, #tpu.memory_space<hbm>>) dst(%dma_wait3A_325 : memref<128xi32, #tpu.memory_space<vmem>>)
      %dma_start3A_327 = arith.constant 1 : i32
      %dma_start3A_328 = arith.constant 0 : i32
      %dma_start3A_329 = tpu.memref_slice %arg8[%dma_start3A_327, %dma_start3A_328] : memref<3x128xi32, #tpu.memory_space<vmem>> -> memref<1x128xi32, #tpu.memory_space<vmem>>
      %dma_start3A_330 = tpu.memref_squeeze %dma_start3A_329 : memref<1x128xi32, #tpu.memory_space<vmem>> -> memref<128xi32, #tpu.memory_space<vmem>>
      %dma_start3A_331 = arith.constant 0 : i32
      %dma_start3A_332 = arith.constant 0 : i32
      %dma_start3A_333 = tpu.memref_slice %arg2[%dma_start3A_331, %dma_start3A_332] : memref<10000x128xf32, #tpu.memory_space<hbm>> -> memref<10000x128xf32, #tpu.memory_space<hbm>>
      tpu.enqueue_indirect_dma source(%dma_start3A_333 : memref<10000x128xf32, #tpu.memory_space<hbm>>) target(%arg11 : memref<128x128xf32, #tpu.memory_space<vmem>>) offsets(%dma_start3A_330 : memref<128xi32, #tpu.memory_space<vmem>>) semaphore(%arg15 : memref<!tpu.dma_semaphore, #tpu.memory_space<semaphore_mem>>)
      %add3A_334 = arith.constant 3 : i32
      %add3A_335 = arith.addi %add3A_129, %add3A_334 : i32
      %add3A_336 = arith.constant 2 : i32
      %add3A_337 = arith.addi %add3A_335, %add3A_336 : i32
      %rem3A_338 = arith.constant 81 : i32
      %rem3A_339 = arith.remsi %add3A_337, %rem3A_338 : i32
      %mul3A_340 = arith.constant 128 : i32
      %mul3A_341 = arith.muli %rem3A_339, %mul3A_340 : i32
      %add3A_342 = arith.addi %mul3A_2, %mul3A_341 : i32
      %dma_wait3A_343 = arith.constant 2 : i32
      %dma_wait3A_344 = arith.constant 0 : i32
      %dma_wait3A_345 = tpu.memref_slice %arg9[%dma_wait3A_343, %dma_wait3A_344] : memref<3x128xi32, #tpu.memory_space<vmem>> -> memref<1x128xi32, #tpu.memory_space<vmem>>
      %dma_wait3A_346 = tpu.memref_squeeze %dma_wait3A_345 : memref<1x128xi32, #tpu.memory_space<vmem>> -> memref<128xi32, #tpu.memory_space<vmem>>
      %dma_wait3A_347 = arith.constant 0 : i32
      %dma_wait3A_348 = arith.constant 0 : i32
      %dma_wait3A_349 = tpu.memref_slice %arg13[%dma_wait3A_347, %dma_wait3A_348] : memref<10112x128xf32, #tpu.memory_space<vmem_shared>> -> memref<10112x128xf32, #tpu.memory_space<vmem_shared>>
      tpu.wait_indirect_dma semaphore(%arg19 : memref<!tpu.dma_semaphore, #tpu.memory_space<semaphore_mem>>) src(%arg12 : memref<128x128xf32, #tpu.memory_space<vmem>>) dst(%dma_wait3A_349 : memref<10112x128xf32, #tpu.memory_space<vmem_shared>>)
      %dma_start3A_350 = arith.constant 2 : i32
      %dma_start3A_351 = arith.constant 0 : i32
      %dma_start3A_352 = tpu.memref_slice %arg9[%dma_start3A_350, %dma_start3A_351] : memref<3x128xi32, #tpu.memory_space<vmem>> -> memref<1x128xi32, #tpu.memory_space<vmem>>
      %dma_start3A_353 = tpu.memref_squeeze %dma_start3A_352 : memref<1x128xi32, #tpu.memory_space<vmem>> -> memref<128xi32, #tpu.memory_space<vmem>>
      %dma_start3A_354 = tpu.memref_slice %arg4[%add3A_342] : memref<331776xi32, #tpu.memory_space<hbm>> -> memref<128xi32, #tpu.memory_space<hbm>>
      %dma_start3A_355 = arith.constant 0 : i32
      %dma_start3A_356 = tpu.memref_slice %arg9[%dma_start3A_350, %dma_start3A_355] : memref<3x128xi32, #tpu.memory_space<vmem>> -> memref<1x128xi32, #tpu.memory_space<vmem>>
      %dma_start3A_357 = tpu.memref_squeeze %dma_start3A_356 : memref<1x128xi32, #tpu.memory_space<vmem>> -> memref<128xi32, #tpu.memory_space<vmem>>
      %dma_start3A_358 = tpu.memref_slice %arg4[%add3A_342] : memref<331776xi32, #tpu.memory_space<hbm>> -> memref<128xi32, #tpu.memory_space<hbm>>
      tpu.enqueue_dma source(%dma_start3A_358 : memref<128xi32, #tpu.memory_space<hbm>>) target(%dma_start3A_357 : memref<128xi32, #tpu.memory_space<vmem>>) target_semaphore(%arg25 : memref<!tpu.dma_semaphore, #tpu.memory_space<semaphore_mem>>)
      %dma_wait3A_359 = arith.constant 2 : i32
      %dma_wait3A_360 = arith.constant 0 : i32
      %dma_wait3A_361 = tpu.memref_slice %arg8[%dma_wait3A_359, %dma_wait3A_360] : memref<3x128xi32, #tpu.memory_space<vmem>> -> memref<1x128xi32, #tpu.memory_space<vmem>>
      %dma_wait3A_362 = tpu.memref_squeeze %dma_wait3A_361 : memref<1x128xi32, #tpu.memory_space<vmem>> -> memref<128xi32, #tpu.memory_space<vmem>>
      %dma_wait3A_363 = tpu.memref_slice %arg3[%add3A_342] : memref<331776xi32, #tpu.memory_space<hbm>> -> memref<128xi32, #tpu.memory_space<hbm>>
      %dma_wait3A_364 = arith.constant 0 : i32
      %dma_wait3A_365 = tpu.memref_slice %arg8[%dma_wait3A_359, %dma_wait3A_364] : memref<3x128xi32, #tpu.memory_space<vmem>> -> memref<1x128xi32, #tpu.memory_space<vmem>>
      %dma_wait3A_366 = tpu.memref_squeeze %dma_wait3A_365 : memref<1x128xi32, #tpu.memory_space<vmem>> -> memref<128xi32, #tpu.memory_space<vmem>>
      %dma_wait3A_367 = tpu.memref_slice %arg3[%add3A_342] : memref<331776xi32, #tpu.memory_space<hbm>> -> memref<128xi32, #tpu.memory_space<hbm>>
      tpu.wait_dma2 semaphore(%arg22 : memref<!tpu.dma_semaphore, #tpu.memory_space<semaphore_mem>>) src(%dma_wait3A_367 : memref<128xi32, #tpu.memory_space<hbm>>) dst(%dma_wait3A_366 : memref<128xi32, #tpu.memory_space<vmem>>)
      %dma_start3A_368 = arith.constant 2 : i32
      %dma_start3A_369 = arith.constant 0 : i32
      %dma_start3A_370 = tpu.memref_slice %arg8[%dma_start3A_368, %dma_start3A_369] : memref<3x128xi32, #tpu.memory_space<vmem>> -> memref<1x128xi32, #tpu.memory_space<vmem>>
      %dma_start3A_371 = tpu.memref_squeeze %dma_start3A_370 : memref<1x128xi32, #tpu.memory_space<vmem>> -> memref<128xi32, #tpu.memory_space<vmem>>
      %dma_start3A_372 = arith.constant 0 : i32
      %dma_start3A_373 = arith.constant 0 : i32
      %dma_start3A_374 = tpu.memref_slice %arg2[%dma_start3A_372, %dma_start3A_373] : memref<10000x128xf32, #tpu.memory_space<hbm>> -> memref<10000x128xf32, #tpu.memory_space<hbm>>
      tpu.enqueue_indirect_dma source(%dma_start3A_374 : memref<10000x128xf32, #tpu.memory_space<hbm>>) target(%arg12 : memref<128x128xf32, #tpu.memory_space<vmem>>) offsets(%dma_start3A_371 : memref<128xi32, #tpu.memory_space<vmem>>) semaphore(%arg16 : memref<!tpu.dma_semaphore, #tpu.memory_space<semaphore_mem>>)
    }
    %scan3A_69 = arith.constant 27 : i32
    %dma_wait3A = arith.constant 0 : i32
    %dma_wait3A_70 = arith.constant 0 : i32
    %dma_wait3A_71 = tpu.memref_slice %arg8[%dma_wait3A, %dma_wait3A_70] : memref<3x128xi32, #tpu.memory_space<vmem>> -> memref<1x128xi32, #tpu.memory_space<vmem>>
    %dma_wait3A_72 = tpu.memref_squeeze %dma_wait3A_71 : memref<1x128xi32, #tpu.memory_space<vmem>> -> memref<128xi32, #tpu.memory_space<vmem>>
    %dma_wait3A_73 = arith.constant 0 : i32
    %dma_wait3A_74 = arith.constant 0 : i32
    %dma_wait3A_75 = tpu.memref_slice %arg2[%dma_wait3A_73, %dma_wait3A_74] : memref<10000x128xf32, #tpu.memory_space<hbm>> -> memref<10000x128xf32, #tpu.memory_space<hbm>>
    tpu.wait_indirect_dma semaphore(%arg14 : memref<!tpu.dma_semaphore, #tpu.memory_space<semaphore_mem>>) src(%dma_wait3A_75 : memref<10000x128xf32, #tpu.memory_space<hbm>>) dst(%arg10 : memref<128x128xf32, #tpu.memory_space<vmem>>)
    %dma_wait3A_76 = arith.constant 0 : i32
    %dma_wait3A_77 = arith.constant 0 : i32
    %dma_wait3A_78 = tpu.memref_slice %arg9[%dma_wait3A_76, %dma_wait3A_77] : memref<3x128xi32, #tpu.memory_space<vmem>> -> memref<1x128xi32, #tpu.memory_space<vmem>>
    %dma_wait3A_79 = tpu.memref_squeeze %dma_wait3A_78 : memref<1x128xi32, #tpu.memory_space<vmem>> -> memref<128xi32, #tpu.memory_space<vmem>>
    %dma_wait3A_80 = tpu.memref_slice %arg4[%mul3A_2] : memref<331776xi32, #tpu.memory_space<hbm>> -> memref<128xi32, #tpu.memory_space<hbm>>
    %dma_wait3A_81 = arith.constant 0 : i32
    %dma_wait3A_82 = tpu.memref_slice %arg9[%dma_wait3A_76, %dma_wait3A_81] : memref<3x128xi32, #tpu.memory_space<vmem>> -> memref<1x128xi32, #tpu.memory_space<vmem>>
    %dma_wait3A_83 = tpu.memref_squeeze %dma_wait3A_82 : memref<1x128xi32, #tpu.memory_space<vmem>> -> memref<128xi32, #tpu.memory_space<vmem>>
    %dma_wait3A_84 = tpu.memref_slice %arg4[%mul3A_2] : memref<331776xi32, #tpu.memory_space<hbm>> -> memref<128xi32, #tpu.memory_space<hbm>>
    tpu.wait_dma2 semaphore(%arg23 : memref<!tpu.dma_semaphore, #tpu.memory_space<semaphore_mem>>) src(%dma_wait3A_84 : memref<128xi32, #tpu.memory_space<hbm>>) dst(%dma_wait3A_83 : memref<128xi32, #tpu.memory_space<vmem>>)
    %dma_wait3A_85 = arith.constant 1 : i32
    %dma_wait3A_86 = arith.constant 0 : i32
    %dma_wait3A_87 = tpu.memref_slice %arg8[%dma_wait3A_85, %dma_wait3A_86] : memref<3x128xi32, #tpu.memory_space<vmem>> -> memref<1x128xi32, #tpu.memory_space<vmem>>
    %dma_wait3A_88 = tpu.memref_squeeze %dma_wait3A_87 : memref<1x128xi32, #tpu.memory_space<vmem>> -> memref<128xi32, #tpu.memory_space<vmem>>
    %dma_wait3A_89 = arith.constant 0 : i32
    %dma_wait3A_90 = arith.constant 0 : i32
    %dma_wait3A_91 = tpu.memref_slice %arg2[%dma_wait3A_89, %dma_wait3A_90] : memref<10000x128xf32, #tpu.memory_space<hbm>> -> memref<10000x128xf32, #tpu.memory_space<hbm>>
    tpu.wait_indirect_dma semaphore(%arg15 : memref<!tpu.dma_semaphore, #tpu.memory_space<semaphore_mem>>) src(%dma_wait3A_91 : memref<10000x128xf32, #tpu.memory_space<hbm>>) dst(%arg11 : memref<128x128xf32, #tpu.memory_space<vmem>>)
    %dma_wait3A_92 = arith.constant 1 : i32
    %dma_wait3A_93 = arith.constant 0 : i32
    %dma_wait3A_94 = tpu.memref_slice %arg9[%dma_wait3A_92, %dma_wait3A_93] : memref<3x128xi32, #tpu.memory_space<vmem>> -> memref<1x128xi32, #tpu.memory_space<vmem>>
    %dma_wait3A_95 = tpu.memref_squeeze %dma_wait3A_94 : memref<1x128xi32, #tpu.memory_space<vmem>> -> memref<128xi32, #tpu.memory_space<vmem>>
    %dma_wait3A_96 = tpu.memref_slice %arg4[%mul3A_2] : memref<331776xi32, #tpu.memory_space<hbm>> -> memref<128xi32, #tpu.memory_space<hbm>>
    %dma_wait3A_97 = arith.constant 0 : i32
    %dma_wait3A_98 = tpu.memref_slice %arg9[%dma_wait3A_92, %dma_wait3A_97] : memref<3x128xi32, #tpu.memory_space<vmem>> -> memref<1x128xi32, #tpu.memory_space<vmem>>
    %dma_wait3A_99 = tpu.memref_squeeze %dma_wait3A_98 : memref<1x128xi32, #tpu.memory_space<vmem>> -> memref<128xi32, #tpu.memory_space<vmem>>
    %dma_wait3A_100 = tpu.memref_slice %arg4[%mul3A_2] : memref<331776xi32, #tpu.memory_space<hbm>> -> memref<128xi32, #tpu.memory_space<hbm>>
    tpu.wait_dma2 semaphore(%arg24 : memref<!tpu.dma_semaphore, #tpu.memory_space<semaphore_mem>>) src(%dma_wait3A_100 : memref<128xi32, #tpu.memory_space<hbm>>) dst(%dma_wait3A_99 : memref<128xi32, #tpu.memory_space<vmem>>)
    %dma_wait3A_101 = arith.constant 2 : i32
    %dma_wait3A_102 = arith.constant 0 : i32
    %dma_wait3A_103 = tpu.memref_slice %arg8[%dma_wait3A_101, %dma_wait3A_102] : memref<3x128xi32, #tpu.memory_space<vmem>> -> memref<1x128xi32, #tpu.memory_space<vmem>>
    %dma_wait3A_104 = tpu.memref_squeeze %dma_wait3A_103 : memref<1x128xi32, #tpu.memory_space<vmem>> -> memref<128xi32, #tpu.memory_space<vmem>>
    %dma_wait3A_105 = arith.constant 0 : i32
    %dma_wait3A_106 = arith.constant 0 : i32
    %dma_wait3A_107 = tpu.memref_slice %arg2[%dma_wait3A_105, %dma_wait3A_106] : memref<10000x128xf32, #tpu.memory_space<hbm>> -> memref<10000x128xf32, #tpu.memory_space<hbm>>
    tpu.wait_indirect_dma semaphore(%arg16 : memref<!tpu.dma_semaphore, #tpu.memory_space<semaphore_mem>>) src(%dma_wait3A_107 : memref<10000x128xf32, #tpu.memory_space<hbm>>) dst(%arg12 : memref<128x128xf32, #tpu.memory_space<vmem>>)
    %dma_wait3A_108 = arith.constant 2 : i32
    %dma_wait3A_109 = arith.constant 0 : i32
    %dma_wait3A_110 = tpu.memref_slice %arg9[%dma_wait3A_108, %dma_wait3A_109] : memref<3x128xi32, #tpu.memory_space<vmem>> -> memref<1x128xi32, #tpu.memory_space<vmem>>
    %dma_wait3A_111 = tpu.memref_squeeze %dma_wait3A_110 : memref<1x128xi32, #tpu.memory_space<vmem>> -> memref<128xi32, #tpu.memory_space<vmem>>
    %dma_wait3A_112 = tpu.memref_slice %arg4[%mul3A_2] : memref<331776xi32, #tpu.memory_space<hbm>> -> memref<128xi32, #tpu.memory_space<hbm>>
    %dma_wait3A_113 = arith.constant 0 : i32
    %dma_wait3A_114 = tpu.memref_slice %arg9[%dma_wait3A_108, %dma_wait3A_113] : memref<3x128xi32, #tpu.memory_space<vmem>> -> memref<1x128xi32, #tpu.memory_space<vmem>>
    %dma_wait3A_115 = tpu.memref_squeeze %dma_wait3A_114 : memref<1x128xi32, #tpu.memory_space<vmem>> -> memref<128xi32, #tpu.memory_space<vmem>>
    %dma_wait3A_116 = tpu.memref_slice %arg4[%mul3A_2] : memref<331776xi32, #tpu.memory_space<hbm>> -> memref<128xi32, #tpu.memory_space<hbm>>
    tpu.wait_dma2 semaphore(%arg25 : memref<!tpu.dma_semaphore, #tpu.memory_space<semaphore_mem>>) src(%dma_wait3A_116 : memref<128xi32, #tpu.memory_space<hbm>>) dst(%dma_wait3A_115 : memref<128xi32, #tpu.memory_space<vmem>>)
    %barrier3A_117 = arith.constant 0 : index
    tpu.barrier barrier_id(%barrier3A_117)
    %eq3A = arith.constant 0 : i32
    %eq3A_118 = arith.cmpi eq, %arg0, %eq3A : i32
    %convert_element_type3A = arith.extui %eq3A_118 : i1 to i32
    %cond3A = arith.constant 0 : i32
    %cond3A_119 = arith.cmpi ne, %convert_element_type3A, %cond3A : i32
    scf.if %cond3A_119 {
      %mul3A_125 = arith.constant 632 : i32
      %mul3A_126 = arith.muli %arg1, %mul3A_125 : i32
      %mul3A_127 = arith.constant 632 : i32
      %mul3A_128 = arith.muli %arg1, %mul3A_127 : i32
      "tpu.region"() ({
        %run_scoped3A_129 = tpu.sem_alloc : memref<!tpu.dma_semaphore, #tpu.memory_space<semaphore_mem>>
        %dma_start3A_130 = arith.constant 0 : i32
        %dma_start3A_131 = tpu.memref_slice %arg6[%mul3A_128, %dma_start3A_130] : memref<10112x128xf32, #tpu.memory_space<hbm>> -> memref<632x128xf32, #tpu.memory_space<hbm>>
        %dma_start3A_132 = arith.constant 0 : i32
        %dma_start3A_133 = tpu.memref_slice %arg13[%mul3A_126, %dma_start3A_132] : memref<10112x128xf32, #tpu.memory_space<vmem_shared>> -> memref<632x128xf32, #tpu.memory_space<vmem_shared>>
        tpu.enqueue_dma source(%dma_start3A_133 : memref<632x128xf32, #tpu.memory_space<vmem_shared>>) target(%dma_start3A_131 : memref<632x128xf32, #tpu.memory_space<hbm>>) target_semaphore(%run_scoped3A_129 : memref<!tpu.dma_semaphore, #tpu.memory_space<semaphore_mem>>)
        %dma_wait3A_134 = arith.constant 0 : i32
        %dma_wait3A_135 = tpu.memref_slice %arg6[%mul3A_128, %dma_wait3A_134] : memref<10112x128xf32, #tpu.memory_space<hbm>> -> memref<632x128xf32, #tpu.memory_space<hbm>>
        %dma_wait3A_136 = arith.constant 0 : i32
        %dma_wait3A_137 = tpu.memref_slice %arg13[%mul3A_126, %dma_wait3A_136] : memref<10112x128xf32, #tpu.memory_space<vmem_shared>> -> memref<632x128xf32, #tpu.memory_space<vmem_shared>>
        tpu.wait_dma2 semaphore(%run_scoped3A_129 : memref<!tpu.dma_semaphore, #tpu.memory_space<semaphore_mem>>) src(%dma_wait3A_137 : memref<632x128xf32, #tpu.memory_space<vmem_shared>>) dst(%dma_wait3A_135 : memref<632x128xf32, #tpu.memory_space<hbm>>)
        tpu.yield
      }) : () -> ()
    } else {
    }
    %eq3A_120 = arith.constant 1 : i32
    %eq3A_121 = arith.cmpi eq, %arg0, %eq3A_120 : i32
    %convert_element_type3A_122 = arith.extui %eq3A_121 : i1 to i32
    %cond3A_123 = arith.constant 0 : i32
    %cond3A_124 = arith.cmpi ne, %convert_element_type3A_122, %cond3A_123 : i32
    scf.if %cond3A_124 {
      %mul3A_125 = arith.constant 632 : i32
      %mul3A_126 = arith.muli %arg1, %mul3A_125 : i32
      %mul3A_127 = arith.constant 632 : i32
      %mul3A_128 = arith.muli %arg1, %mul3A_127 : i32
      "tpu.region"() ({
        %run_scoped3A_129 = tpu.sem_alloc : memref<!tpu.dma_semaphore, #tpu.memory_space<semaphore_mem>>
        %dma_start3A_130 = arith.constant 0 : i32
        %dma_start3A_131 = tpu.memref_slice %arg7[%mul3A_128, %dma_start3A_130] : memref<10112x128xf32, #tpu.memory_space<hbm>> -> memref<632x128xf32, #tpu.memory_space<hbm>>
        %dma_start3A_132 = arith.constant 0 : i32
        %dma_start3A_133 = tpu.memref_slice %arg13[%mul3A_126, %dma_start3A_132] : memref<10112x128xf32, #tpu.memory_space<vmem_shared>> -> memref<632x128xf32, #tpu.memory_space<vmem_shared>>
        tpu.enqueue_dma source(%dma_start3A_133 : memref<632x128xf32, #tpu.memory_space<vmem_shared>>) target(%dma_start3A_131 : memref<632x128xf32, #tpu.memory_space<hbm>>) target_semaphore(%run_scoped3A_129 : memref<!tpu.dma_semaphore, #tpu.memory_space<semaphore_mem>>)
        %dma_wait3A_134 = arith.constant 0 : i32
        %dma_wait3A_135 = tpu.memref_slice %arg7[%mul3A_128, %dma_wait3A_134] : memref<10112x128xf32, #tpu.memory_space<hbm>> -> memref<632x128xf32, #tpu.memory_space<hbm>>
        %dma_wait3A_136 = arith.constant 0 : i32
        %dma_wait3A_137 = tpu.memref_slice %arg13[%mul3A_126, %dma_wait3A_136] : memref<10112x128xf32, #tpu.memory_space<vmem_shared>> -> memref<632x128xf32, #tpu.memory_space<vmem_shared>>
        tpu.wait_dma2 semaphore(%run_scoped3A_129 : memref<!tpu.dma_semaphore, #tpu.memory_space<semaphore_mem>>) src(%dma_wait3A_137 : memref<632x128xf32, #tpu.memory_space<vmem_shared>>) dst(%dma_wait3A_135 : memref<632x128xf32, #tpu.memory_space<hbm>>)
        tpu.yield
      }) : () -> ()
    } else {
    }
    return
  }
}

#map = affine_map<(d0, d1) -> (0, 0)>
#map1 = affine_map<(d0, d1) -> (0)>
module attributes {stable_mosaic.version = 14 : i64} {
  func.func @agg_kernel(%arg0: i32, %arg1: i32, %arg2: memref<10000x128xf32, #tpu.memory_space<hbm>>, %arg3: memref<331776xi32, #tpu.memory_space<hbm>>, %arg4: memref<331776xi32, #tpu.memory_space<hbm>>, %arg5: memref<632x128xf32, #tpu.memory_space<hbm>>, %arg6: memref<10112x128xf32, #tpu.memory_space<hbm>>, %arg7: memref<10112x128xf32, #tpu.memory_space<hbm>>, %arg8: memref<3x128xi32, #tpu.memory_space<vmem>>, %arg9: memref<3x128xi32, #tpu.memory_space<vmem>>, %arg10: memref<128x128xf32, #tpu.memory_space<vmem>>, %arg11: memref<128x128xf32, #tpu.memory_space<vmem>>, %arg12: memref<128x128xf32, #tpu.memory_space<vmem>>, %arg13: memref<10112x128xf32, #tpu.memory_space<vmem_shared>>, %arg14: memref<!tpu.dma_semaphore, #tpu.memory_space<semaphore_mem>>, %arg15: memref<!tpu.dma_semaphore, #tpu.memory_space<semaphore_mem>>, %arg16: memref<!tpu.dma_semaphore, #tpu.memory_space<semaphore_mem>>, %arg17: memref<!tpu.dma_semaphore, #tpu.memory_space<semaphore_mem>>, %arg18: memref<!tpu.dma_semaphore, #tpu.memory_space<semaphore_mem>>, %arg19: memref<!tpu.dma_semaphore, #tpu.memory_space<semaphore_mem>>, %arg20: memref<!tpu.dma_semaphore, #tpu.memory_space<semaphore_mem>>, %arg21: memref<!tpu.dma_semaphore, #tpu.memory_space<semaphore_mem>>, %arg22: memref<!tpu.dma_semaphore, #tpu.memory_space<semaphore_mem>>, %arg23: memref<!tpu.dma_semaphore, #tpu.memory_space<semaphore_mem>>, %arg24: memref<!tpu.dma_semaphore, #tpu.memory_space<semaphore_mem>>, %arg25: memref<!tpu.dma_semaphore, #tpu.memory_space<semaphore_mem>>) attributes {dimension_semantics = [#tpu.dimension_semantics<core_parallel>, #tpu.dimension_semantics<subcore_parallel>], iteration_bounds = array<i64: 2, 16>, scalar_prefetch = 0 : i64, scratch_operands = 18 : i64, tpu.core_type = #tpu.core_type<sc_vector_subcore>, window_params = [{transform_indices = #map}, {transform_indices = #map1}, {transform_indices = #map1}, {transform_indices = #map}, {transform_indices = #map}, {transform_indices = #map}]} {
    %mul3A = arith.constant 2 : i32
    %mul3A_0 = arith.muli %arg1, %mul3A : i32
    %add3A = arith.addi %mul3A_0, %arg0 : i32
    %mul3A_1 = arith.constant 10368 : i32
    %mul3A_2 = arith.muli %add3A, %mul3A_1 : i32
    %mul3A_3 = arith.constant 632 : i32
    %mul3A_4 = arith.muli %arg1, %mul3A_3 : i32
    "tpu.region"() ({
      %run_scoped3A_125 = tpu.sem_alloc : memref<!tpu.dma_semaphore, #tpu.memory_space<semaphore_mem>>
      %dma_start3A_126 = arith.constant 0 : i32
      %dma_start3A_127 = tpu.memref_slice %arg13[%mul3A_4, %dma_start3A_126] : memref<10112x128xf32, #tpu.memory_space<vmem_shared>> -> memref<632x128xf32, #tpu.memory_space<vmem_shared>>
      tpu.enqueue_dma source(%arg5 : memref<632x128xf32, #tpu.memory_space<hbm>>) target(%dma_start3A_127 : memref<632x128xf32, #tpu.memory_space<vmem_shared>>) target_semaphore(%run_scoped3A_125 : memref<!tpu.dma_semaphore, #tpu.memory_space<semaphore_mem>>)
      %dma_wait3A_128 = arith.constant 0 : i32
      %dma_wait3A_129 = tpu.memref_slice %arg13[%mul3A_4, %dma_wait3A_128] : memref<10112x128xf32, #tpu.memory_space<vmem_shared>> -> memref<632x128xf32, #tpu.memory_space<vmem_shared>>
      tpu.wait_dma2 semaphore(%run_scoped3A_125 : memref<!tpu.dma_semaphore, #tpu.memory_space<semaphore_mem>>) src(%arg5 : memref<632x128xf32, #tpu.memory_space<hbm>>) dst(%dma_wait3A_129 : memref<632x128xf32, #tpu.memory_space<vmem_shared>>)
      tpu.yield
    }) : () -> ()
    %add3A_5 = arith.constant 0 : i32
    %add3A_6 = arith.addi %mul3A_2, %add3A_5 : i32
    %run_scoped3A = arith.constant 0 : i32
    "tpu.region"() ({
      %run_scoped3A_125 = tpu.sem_alloc : memref<!tpu.dma_semaphore, #tpu.memory_space<semaphore_mem>>
      %dma_start3A_126 = arith.constant 0 : i32
      %dma_start3A_127 = tpu.memref_slice %arg8[%run_scoped3A, %dma_start3A_126] : memref<3x128xi32, #tpu.memory_space<vmem>> -> memref<1x128xi32, #tpu.memory_space<vmem>>
      %dma_start3A_128 = tpu.memref_squeeze %dma_start3A_127 : memref<1x128xi32, #tpu.memory_space<vmem>> -> memref<128xi32, #tpu.memory_space<vmem>>
      %dma_start3A_129 = tpu.memref_slice %arg3[%add3A_6] : memref<331776xi32, #tpu.memory_space<hbm>> -> memref<128xi32, #tpu.memory_space<hbm>>
      %dma_start3A_130 = arith.constant 0 : i32
      %dma_start3A_131 = tpu.memref_slice %arg8[%run_scoped3A, %dma_start3A_130] : memref<3x128xi32, #tpu.memory_space<vmem>> -> memref<1x128xi32, #tpu.memory_space<vmem>>
      %dma_start3A_132 = tpu.memref_squeeze %dma_start3A_131 : memref<1x128xi32, #tpu.memory_space<vmem>> -> memref<128xi32, #tpu.memory_space<vmem>>
      %dma_start3A_133 = tpu.memref_slice %arg3[%add3A_6] : memref<331776xi32, #tpu.memory_space<hbm>> -> memref<128xi32, #tpu.memory_space<hbm>>
      tpu.enqueue_dma source(%dma_start3A_133 : memref<128xi32, #tpu.memory_space<hbm>>) target(%dma_start3A_132 : memref<128xi32, #tpu.memory_space<vmem>>) target_semaphore(%run_scoped3A_125 : memref<!tpu.dma_semaphore, #tpu.memory_space<semaphore_mem>>)
      %dma_wait3A_134 = arith.constant 0 : i32
      %dma_wait3A_135 = tpu.memref_slice %arg8[%run_scoped3A, %dma_wait3A_134] : memref<3x128xi32, #tpu.memory_space<vmem>> -> memref<1x128xi32, #tpu.memory_space<vmem>>
      %dma_wait3A_136 = tpu.memref_squeeze %dma_wait3A_135 : memref<1x128xi32, #tpu.memory_space<vmem>> -> memref<128xi32, #tpu.memory_space<vmem>>
      %dma_wait3A_137 = tpu.memref_slice %arg3[%add3A_6] : memref<331776xi32, #tpu.memory_space<hbm>> -> memref<128xi32, #tpu.memory_space<hbm>>
      %dma_wait3A_138 = arith.constant 0 : i32
      %dma_wait3A_139 = tpu.memref_slice %arg8[%run_scoped3A, %dma_wait3A_138] : memref<3x128xi32, #tpu.memory_space<vmem>> -> memref<1x128xi32, #tpu.memory_space<vmem>>
      %dma_wait3A_140 = tpu.memref_squeeze %dma_wait3A_139 : memref<1x128xi32, #tpu.memory_space<vmem>> -> memref<128xi32, #tpu.memory_space<vmem>>
      %dma_wait3A_141 = tpu.memref_slice %arg3[%add3A_6] : memref<331776xi32, #tpu.memory_space<hbm>> -> memref<128xi32, #tpu.memory_space<hbm>>
      tpu.wait_dma2 semaphore(%run_scoped3A_125 : memref<!tpu.dma_semaphore, #tpu.memory_space<semaphore_mem>>) src(%dma_wait3A_141 : memref<128xi32, #tpu.memory_space<hbm>>) dst(%dma_wait3A_140 : memref<128xi32, #tpu.memory_space<vmem>>)
      tpu.yield
    }) : () -> ()
    %add3A_7 = arith.constant 0 : i32
    %add3A_8 = arith.addi %mul3A_2, %add3A_7 : i32
    %dma_start3A = arith.constant 0 : i32
    %dma_start3A_9 = arith.constant 0 : i32
    %dma_start3A_10 = tpu.memref_slice %arg9[%dma_start3A, %dma_start3A_9] : memref<3x128xi32, #tpu.memory_space<vmem>> -> memref<1x128xi32, #tpu.memory_space<vmem>>
    %dma_start3A_11 = tpu.memref_squeeze %dma_start3A_10 : memref<1x128xi32, #tpu.memory_space<vmem>> -> memref<128xi32, #tpu.memory_space<vmem>>
    %dma_start3A_12 = tpu.memref_slice %arg4[%add3A_8] : memref<331776xi32, #tpu.memory_space<hbm>> -> memref<128xi32, #tpu.memory_space<hbm>>
    %dma_start3A_13 = arith.constant 0 : i32
    %dma_start3A_14 = tpu.memref_slice %arg9[%dma_start3A, %dma_start3A_13] : memref<3x128xi32, #tpu.memory_space<vmem>> -> memref<1x128xi32, #tpu.memory_space<vmem>>
    %dma_start3A_15 = tpu.memref_squeeze %dma_start3A_14 : memref<1x128xi32, #tpu.memory_space<vmem>> -> memref<128xi32, #tpu.memory_space<vmem>>
    %dma_start3A_16 = tpu.memref_slice %arg4[%add3A_8] : memref<331776xi32, #tpu.memory_space<hbm>> -> memref<128xi32, #tpu.memory_space<hbm>>
    tpu.enqueue_dma source(%dma_start3A_16 : memref<128xi32, #tpu.memory_space<hbm>>) target(%dma_start3A_15 : memref<128xi32, #tpu.memory_space<vmem>>) target_semaphore(%arg23 : memref<!tpu.dma_semaphore, #tpu.memory_space<semaphore_mem>>)
    %dma_start3A_17 = arith.constant 0 : i32
    %dma_start3A_18 = arith.constant 0 : i32
    %dma_start3A_19 = tpu.memref_slice %arg8[%dma_start3A_17, %dma_start3A_18] : memref<3x128xi32, #tpu.memory_space<vmem>> -> memref<1x128xi32, #tpu.memory_space<vmem>>
    %dma_start3A_20 = tpu.memref_squeeze %dma_start3A_19 : memref<1x128xi32, #tpu.memory_space<vmem>> -> memref<128xi32, #tpu.memory_space<vmem>>
    %dma_start3A_21 = arith.constant 0 : i32
    %dma_start3A_22 = arith.constant 0 : i32
    %dma_start3A_23 = tpu.memref_slice %arg2[%dma_start3A_21, %dma_start3A_22] : memref<10000x128xf32, #tpu.memory_space<hbm>> -> memref<10000x128xf32, #tpu.memory_space<hbm>>
    tpu.enqueue_indirect_dma source(%dma_start3A_23 : memref<10000x128xf32, #tpu.memory_space<hbm>>) target(%arg10 : memref<128x128xf32, #tpu.memory_space<vmem>>) offsets(%dma_start3A_20 : memref<128xi32, #tpu.memory_space<vmem>>) semaphore(%arg14 : memref<!tpu.dma_semaphore, #tpu.memory_space<semaphore_mem>>)
    %add3A_24 = arith.constant 128 : i32
    %add3A_25 = arith.addi %mul3A_2, %add3A_24 : i32
    %run_scoped3A_26 = arith.constant 1 : i32
    "tpu.region"() ({
      %run_scoped3A_125 = tpu.sem_alloc : memref<!tpu.dma_semaphore, #tpu.memory_space<semaphore_mem>>
      %dma_start3A_126 = arith.constant 0 : i32
      %dma_start3A_127 = tpu.memref_slice %arg8[%run_scoped3A_26, %dma_start3A_126] : memref<3x128xi32, #tpu.memory_space<vmem>> -> memref<1x128xi32, #tpu.memory_space<vmem>>
      %dma_start3A_128 = tpu.memref_squeeze %dma_start3A_127 : memref<1x128xi32, #tpu.memory_space<vmem>> -> memref<128xi32, #tpu.memory_space<vmem>>
      %dma_start3A_129 = tpu.memref_slice %arg3[%add3A_25] : memref<331776xi32, #tpu.memory_space<hbm>> -> memref<128xi32, #tpu.memory_space<hbm>>
      %dma_start3A_130 = arith.constant 0 : i32
      %dma_start3A_131 = tpu.memref_slice %arg8[%run_scoped3A_26, %dma_start3A_130] : memref<3x128xi32, #tpu.memory_space<vmem>> -> memref<1x128xi32, #tpu.memory_space<vmem>>
      %dma_start3A_132 = tpu.memref_squeeze %dma_start3A_131 : memref<1x128xi32, #tpu.memory_space<vmem>> -> memref<128xi32, #tpu.memory_space<vmem>>
      %dma_start3A_133 = tpu.memref_slice %arg3[%add3A_25] : memref<331776xi32, #tpu.memory_space<hbm>> -> memref<128xi32, #tpu.memory_space<hbm>>
      tpu.enqueue_dma source(%dma_start3A_133 : memref<128xi32, #tpu.memory_space<hbm>>) target(%dma_start3A_132 : memref<128xi32, #tpu.memory_space<vmem>>) target_semaphore(%run_scoped3A_125 : memref<!tpu.dma_semaphore, #tpu.memory_space<semaphore_mem>>)
      %dma_wait3A_134 = arith.constant 0 : i32
      %dma_wait3A_135 = tpu.memref_slice %arg8[%run_scoped3A_26, %dma_wait3A_134] : memref<3x128xi32, #tpu.memory_space<vmem>> -> memref<1x128xi32, #tpu.memory_space<vmem>>
      %dma_wait3A_136 = tpu.memref_squeeze %dma_wait3A_135 : memref<1x128xi32, #tpu.memory_space<vmem>> -> memref<128xi32, #tpu.memory_space<vmem>>
      %dma_wait3A_137 = tpu.memref_slice %arg3[%add3A_25] : memref<331776xi32, #tpu.memory_space<hbm>> -> memref<128xi32, #tpu.memory_space<hbm>>
      %dma_wait3A_138 = arith.constant 0 : i32
      %dma_wait3A_139 = tpu.memref_slice %arg8[%run_scoped3A_26, %dma_wait3A_138] : memref<3x128xi32, #tpu.memory_space<vmem>> -> memref<1x128xi32, #tpu.memory_space<vmem>>
      %dma_wait3A_140 = tpu.memref_squeeze %dma_wait3A_139 : memref<1x128xi32, #tpu.memory_space<vmem>> -> memref<128xi32, #tpu.memory_space<vmem>>
      %dma_wait3A_141 = tpu.memref_slice %arg3[%add3A_25] : memref<331776xi32, #tpu.memory_space<hbm>> -> memref<128xi32, #tpu.memory_space<hbm>>
      tpu.wait_dma2 semaphore(%run_scoped3A_125 : memref<!tpu.dma_semaphore, #tpu.memory_space<semaphore_mem>>) src(%dma_wait3A_141 : memref<128xi32, #tpu.memory_space<hbm>>) dst(%dma_wait3A_140 : memref<128xi32, #tpu.memory_space<vmem>>)
      tpu.yield
    }) : () -> ()
    %add3A_27 = arith.constant 128 : i32
    %add3A_28 = arith.addi %mul3A_2, %add3A_27 : i32
    %dma_start3A_29 = arith.constant 1 : i32
    %dma_start3A_30 = arith.constant 0 : i32
    %dma_start3A_31 = tpu.memref_slice %arg9[%dma_start3A_29, %dma_start3A_30] : memref<3x128xi32, #tpu.memory_space<vmem>> -> memref<1x128xi32, #tpu.memory_space<vmem>>
    %dma_start3A_32 = tpu.memref_squeeze %dma_start3A_31 : memref<1x128xi32, #tpu.memory_space<vmem>> -> memref<128xi32, #tpu.memory_space<vmem>>
    %dma_start3A_33 = tpu.memref_slice %arg4[%add3A_28] : memref<331776xi32, #tpu.memory_space<hbm>> -> memref<128xi32, #tpu.memory_space<hbm>>
    %dma_start3A_34 = arith.constant 0 : i32
    %dma_start3A_35 = tpu.memref_slice %arg9[%dma_start3A_29, %dma_start3A_34] : memref<3x128xi32, #tpu.memory_space<vmem>> -> memref<1x128xi32, #tpu.memory_space<vmem>>
    %dma_start3A_36 = tpu.memref_squeeze %dma_start3A_35 : memref<1x128xi32, #tpu.memory_space<vmem>> -> memref<128xi32, #tpu.memory_space<vmem>>
    %dma_start3A_37 = tpu.memref_slice %arg4[%add3A_28] : memref<331776xi32, #tpu.memory_space<hbm>> -> memref<128xi32, #tpu.memory_space<hbm>>
    tpu.enqueue_dma source(%dma_start3A_37 : memref<128xi32, #tpu.memory_space<hbm>>) target(%dma_start3A_36 : memref<128xi32, #tpu.memory_space<vmem>>) target_semaphore(%arg24 : memref<!tpu.dma_semaphore, #tpu.memory_space<semaphore_mem>>)
    %dma_start3A_38 = arith.constant 1 : i32
    %dma_start3A_39 = arith.constant 0 : i32
    %dma_start3A_40 = tpu.memref_slice %arg8[%dma_start3A_38, %dma_start3A_39] : memref<3x128xi32, #tpu.memory_space<vmem>> -> memref<1x128xi32, #tpu.memory_space<vmem>>
    %dma_start3A_41 = tpu.memref_squeeze %dma_start3A_40 : memref<1x128xi32, #tpu.memory_space<vmem>> -> memref<128xi32, #tpu.memory_space<vmem>>
    %dma_start3A_42 = arith.constant 0 : i32
    %dma_start3A_43 = arith.constant 0 : i32
    %dma_start3A_44 = tpu.memref_slice %arg2[%dma_start3A_42, %dma_start3A_43] : memref<10000x128xf32, #tpu.memory_space<hbm>> -> memref<10000x128xf32, #tpu.memory_space<hbm>>
    tpu.enqueue_indirect_dma source(%dma_start3A_44 : memref<10000x128xf32, #tpu.memory_space<hbm>>) target(%arg11 : memref<128x128xf32, #tpu.memory_space<vmem>>) offsets(%dma_start3A_41 : memref<128xi32, #tpu.memory_space<vmem>>) semaphore(%arg15 : memref<!tpu.dma_semaphore, #tpu.memory_space<semaphore_mem>>)
    %add3A_45 = arith.constant 256 : i32
    %add3A_46 = arith.addi %mul3A_2, %add3A_45 : i32
    %run_scoped3A_47 = arith.constant 2 : i32
    "tpu.region"() ({
      %run_scoped3A_125 = tpu.sem_alloc : memref<!tpu.dma_semaphore, #tpu.memory_space<semaphore_mem>>
      %dma_start3A_126 = arith.constant 0 : i32
      %dma_start3A_127 = tpu.memref_slice %arg8[%run_scoped3A_47, %dma_start3A_126] : memref<3x128xi32, #tpu.memory_space<vmem>> -> memref<1x128xi32, #tpu.memory_space<vmem>>
      %dma_start3A_128 = tpu.memref_squeeze %dma_start3A_127 : memref<1x128xi32, #tpu.memory_space<vmem>> -> memref<128xi32, #tpu.memory_space<vmem>>
      %dma_start3A_129 = tpu.memref_slice %arg3[%add3A_46] : memref<331776xi32, #tpu.memory_space<hbm>> -> memref<128xi32, #tpu.memory_space<hbm>>
      %dma_start3A_130 = arith.constant 0 : i32
      %dma_start3A_131 = tpu.memref_slice %arg8[%run_scoped3A_47, %dma_start3A_130] : memref<3x128xi32, #tpu.memory_space<vmem>> -> memref<1x128xi32, #tpu.memory_space<vmem>>
      %dma_start3A_132 = tpu.memref_squeeze %dma_start3A_131 : memref<1x128xi32, #tpu.memory_space<vmem>> -> memref<128xi32, #tpu.memory_space<vmem>>
      %dma_start3A_133 = tpu.memref_slice %arg3[%add3A_46] : memref<331776xi32, #tpu.memory_space<hbm>> -> memref<128xi32, #tpu.memory_space<hbm>>
      tpu.enqueue_dma source(%dma_start3A_133 : memref<128xi32, #tpu.memory_space<hbm>>) target(%dma_start3A_132 : memref<128xi32, #tpu.memory_space<vmem>>) target_semaphore(%run_scoped3A_125 : memref<!tpu.dma_semaphore, #tpu.memory_space<semaphore_mem>>)
      %dma_wait3A_134 = arith.constant 0 : i32
      %dma_wait3A_135 = tpu.memref_slice %arg8[%run_scoped3A_47, %dma_wait3A_134] : memref<3x128xi32, #tpu.memory_space<vmem>> -> memref<1x128xi32, #tpu.memory_space<vmem>>
      %dma_wait3A_136 = tpu.memref_squeeze %dma_wait3A_135 : memref<1x128xi32, #tpu.memory_space<vmem>> -> memref<128xi32, #tpu.memory_space<vmem>>
      %dma_wait3A_137 = tpu.memref_slice %arg3[%add3A_46] : memref<331776xi32, #tpu.memory_space<hbm>> -> memref<128xi32, #tpu.memory_space<hbm>>
      %dma_wait3A_138 = arith.constant 0 : i32
      %dma_wait3A_139 = tpu.memref_slice %arg8[%run_scoped3A_47, %dma_wait3A_138] : memref<3x128xi32, #tpu.memory_space<vmem>> -> memref<1x128xi32, #tpu.memory_space<vmem>>
      %dma_wait3A_140 = tpu.memref_squeeze %dma_wait3A_139 : memref<1x128xi32, #tpu.memory_space<vmem>> -> memref<128xi32, #tpu.memory_space<vmem>>
      %dma_wait3A_141 = tpu.memref_slice %arg3[%add3A_46] : memref<331776xi32, #tpu.memory_space<hbm>> -> memref<128xi32, #tpu.memory_space<hbm>>
      tpu.wait_dma2 semaphore(%run_scoped3A_125 : memref<!tpu.dma_semaphore, #tpu.memory_space<semaphore_mem>>) src(%dma_wait3A_141 : memref<128xi32, #tpu.memory_space<hbm>>) dst(%dma_wait3A_140 : memref<128xi32, #tpu.memory_space<vmem>>)
      tpu.yield
    }) : () -> ()
    %add3A_48 = arith.constant 256 : i32
    %add3A_49 = arith.addi %mul3A_2, %add3A_48 : i32
    %dma_start3A_50 = arith.constant 2 : i32
    %dma_start3A_51 = arith.constant 0 : i32
    %dma_start3A_52 = tpu.memref_slice %arg9[%dma_start3A_50, %dma_start3A_51] : memref<3x128xi32, #tpu.memory_space<vmem>> -> memref<1x128xi32, #tpu.memory_space<vmem>>
    %dma_start3A_53 = tpu.memref_squeeze %dma_start3A_52 : memref<1x128xi32, #tpu.memory_space<vmem>> -> memref<128xi32, #tpu.memory_space<vmem>>
    %dma_start3A_54 = tpu.memref_slice %arg4[%add3A_49] : memref<331776xi32, #tpu.memory_space<hbm>> -> memref<128xi32, #tpu.memory_space<hbm>>
    %dma_start3A_55 = arith.constant 0 : i32
    %dma_start3A_56 = tpu.memref_slice %arg9[%dma_start3A_50, %dma_start3A_55] : memref<3x128xi32, #tpu.memory_space<vmem>> -> memref<1x128xi32, #tpu.memory_space<vmem>>
    %dma_start3A_57 = tpu.memref_squeeze %dma_start3A_56 : memref<1x128xi32, #tpu.memory_space<vmem>> -> memref<128xi32, #tpu.memory_space<vmem>>
    %dma_start3A_58 = tpu.memref_slice %arg4[%add3A_49] : memref<331776xi32, #tpu.memory_space<hbm>> -> memref<128xi32, #tpu.memory_space<hbm>>
    tpu.enqueue_dma source(%dma_start3A_58 : memref<128xi32, #tpu.memory_space<hbm>>) target(%dma_start3A_57 : memref<128xi32, #tpu.memory_space<vmem>>) target_semaphore(%arg25 : memref<!tpu.dma_semaphore, #tpu.memory_space<semaphore_mem>>)
    %dma_start3A_59 = arith.constant 2 : i32
    %dma_start3A_60 = arith.constant 0 : i32
    %dma_start3A_61 = tpu.memref_slice %arg8[%dma_start3A_59, %dma_start3A_60] : memref<3x128xi32, #tpu.memory_space<vmem>> -> memref<1x128xi32, #tpu.memory_space<vmem>>
    %dma_start3A_62 = tpu.memref_squeeze %dma_start3A_61 : memref<1x128xi32, #tpu.memory_space<vmem>> -> memref<128xi32, #tpu.memory_space<vmem>>
    %dma_start3A_63 = arith.constant 0 : i32
    %dma_start3A_64 = arith.constant 0 : i32
    %dma_start3A_65 = tpu.memref_slice %arg2[%dma_start3A_63, %dma_start3A_64] : memref<10000x128xf32, #tpu.memory_space<hbm>> -> memref<10000x128xf32, #tpu.memory_space<hbm>>
    tpu.enqueue_indirect_dma source(%dma_start3A_65 : memref<10000x128xf32, #tpu.memory_space<hbm>>) target(%arg12 : memref<128x128xf32, #tpu.memory_space<vmem>>) offsets(%dma_start3A_62 : memref<128xi32, #tpu.memory_space<vmem>>) semaphore(%arg16 : memref<!tpu.dma_semaphore, #tpu.memory_space<semaphore_mem>>)
    %barrier3A = arith.constant 0 : index
    tpu.barrier barrier_id(%barrier3A)
    %scan3A = arith.constant 0 : i32
    %scan3A_66 = arith.constant 27 : i32
    %scan3A_67 = arith.addi %scan3A, %scan3A_66 : i32
    %scan3A_68 = arith.constant 1 : i32
    scf.for %scan3A_125 = %scan3A to %scan3A_67 step %scan3A_68  : i32 {
      %mul3A_126 = arith.constant 3 : i32
      %mul3A_127 = arith.muli %scan3A_125, %mul3A_126 : i32
      %add3A_128 = arith.constant 0 : i32
      %add3A_129 = arith.addi %add3A_128, %mul3A_127 : i32
      %add3A_130 = arith.constant 3 : i32
      %add3A_131 = arith.addi %add3A_129, %add3A_130 : i32
      %add3A_132 = arith.constant 0 : i32
      %add3A_133 = arith.addi %add3A_131, %add3A_132 : i32
      %rem3A = arith.constant 81 : i32
      %rem3A_134 = arith.remsi %add3A_133, %rem3A : i32
      %mul3A_135 = arith.constant 128 : i32
      %mul3A_136 = arith.muli %rem3A_134, %mul3A_135 : i32
      %add3A_137 = arith.addi %mul3A_2, %mul3A_136 : i32
      %dma_wait3A_138 = arith.constant 0 : i32
      %dma_wait3A_139 = arith.constant 0 : i32
      %dma_wait3A_140 = tpu.memref_slice %arg8[%dma_wait3A_138, %dma_wait3A_139] : memref<3x128xi32, #tpu.memory_space<vmem>> -> memref<1x128xi32, #tpu.memory_space<vmem>>
      %dma_wait3A_141 = tpu.memref_squeeze %dma_wait3A_140 : memref<1x128xi32, #tpu.memory_space<vmem>> -> memref<128xi32, #tpu.memory_space<vmem>>
      %dma_wait3A_142 = arith.constant 0 : i32
      %dma_wait3A_143 = arith.constant 0 : i32
      %dma_wait3A_144 = tpu.memref_slice %arg2[%dma_wait3A_142, %dma_wait3A_143] : memref<10000x128xf32, #tpu.memory_space<hbm>> -> memref<10000x128xf32, #tpu.memory_space<hbm>>
      tpu.wait_indirect_dma semaphore(%arg14 : memref<!tpu.dma_semaphore, #tpu.memory_space<semaphore_mem>>) src(%dma_wait3A_144 : memref<10000x128xf32, #tpu.memory_space<hbm>>) dst(%arg10 : memref<128x128xf32, #tpu.memory_space<vmem>>)
      %dma_wait3A_145 = arith.constant 0 : i32
      %dma_wait3A_146 = arith.constant 0 : i32
      %dma_wait3A_147 = tpu.memref_slice %arg9[%dma_wait3A_145, %dma_wait3A_146] : memref<3x128xi32, #tpu.memory_space<vmem>> -> memref<1x128xi32, #tpu.memory_space<vmem>>
      %dma_wait3A_148 = tpu.memref_squeeze %dma_wait3A_147 : memref<1x128xi32, #tpu.memory_space<vmem>> -> memref<128xi32, #tpu.memory_space<vmem>>
      %dma_wait3A_149 = tpu.memref_slice %arg4[%add3A_137] : memref<331776xi32, #tpu.memory_space<hbm>> -> memref<128xi32, #tpu.memory_space<hbm>>
      %dma_wait3A_150 = arith.constant 0 : i32
      %dma_wait3A_151 = tpu.memref_slice %arg9[%dma_wait3A_145, %dma_wait3A_150] : memref<3x128xi32, #tpu.memory_space<vmem>> -> memref<1x128xi32, #tpu.memory_space<vmem>>
      %dma_wait3A_152 = tpu.memref_squeeze %dma_wait3A_151 : memref<1x128xi32, #tpu.memory_space<vmem>> -> memref<128xi32, #tpu.memory_space<vmem>>
      %dma_wait3A_153 = tpu.memref_slice %arg4[%add3A_137] : memref<331776xi32, #tpu.memory_space<hbm>> -> memref<128xi32, #tpu.memory_space<hbm>>
      tpu.wait_dma2 semaphore(%arg23 : memref<!tpu.dma_semaphore, #tpu.memory_space<semaphore_mem>>) src(%dma_wait3A_153 : memref<128xi32, #tpu.memory_space<hbm>>) dst(%dma_wait3A_152 : memref<128xi32, #tpu.memory_space<vmem>>)
      %dma_start3A_154 = arith.constant 0 : i32
      %dma_start3A_155 = arith.constant 0 : i32
      %dma_start3A_156 = tpu.memref_slice %arg9[%dma_start3A_154, %dma_start3A_155] : memref<3x128xi32, #tpu.memory_space<vmem>> -> memref<1x128xi32, #tpu.memory_space<vmem>>
      %dma_start3A_157 = tpu.memref_squeeze %dma_start3A_156 : memref<1x128xi32, #tpu.memory_space<vmem>> -> memref<128xi32, #tpu.memory_space<vmem>>
      %dma_start3A_158 = arith.constant 0 : i32
      %dma_start3A_159 = arith.constant 0 : i32
      %dma_start3A_160 = tpu.memref_slice %arg13[%dma_start3A_158, %dma_start3A_159] : memref<10112x128xf32, #tpu.memory_space<vmem_shared>> -> memref<10112x128xf32, #tpu.memory_space<vmem_shared>>
      tpu.enqueue_indirect_dma source(%arg10 : memref<128x128xf32, #tpu.memory_space<vmem>>) target(%dma_start3A_160 : memref<10112x128xf32, #tpu.memory_space<vmem_shared>>) offsets(%dma_start3A_157 : memref<128xi32, #tpu.memory_space<vmem>>) semaphore(%arg17 : memref<!tpu.dma_semaphore, #tpu.memory_space<semaphore_mem>>) {add = true}
      %dma_start3A_161 = arith.constant 0 : i32
      %dma_start3A_162 = arith.constant 0 : i32
      %dma_start3A_163 = tpu.memref_slice %arg8[%dma_start3A_161, %dma_start3A_162] : memref<3x128xi32, #tpu.memory_space<vmem>> -> memref<1x128xi32, #tpu.memory_space<vmem>>
      %dma_start3A_164 = tpu.memref_squeeze %dma_start3A_163 : memref<1x128xi32, #tpu.memory_space<vmem>> -> memref<128xi32, #tpu.memory_space<vmem>>
      %dma_start3A_165 = tpu.memref_slice %arg3[%add3A_137] : memref<331776xi32, #tpu.memory_space<hbm>> -> memref<128xi32, #tpu.memory_space<hbm>>
      %dma_start3A_166 = arith.constant 0 : i32
      %dma_start3A_167 = tpu.memref_slice %arg8[%dma_start3A_161, %dma_start3A_166] : memref<3x128xi32, #tpu.memory_space<vmem>> -> memref<1x128xi32, #tpu.memory_space<vmem>>
      %dma_start3A_168 = tpu.memref_squeeze %dma_start3A_167 : memref<1x128xi32, #tpu.memory_space<vmem>> -> memref<128xi32, #tpu.memory_space<vmem>>
      %dma_start3A_169 = tpu.memref_slice %arg3[%add3A_137] : memref<331776xi32, #tpu.memory_space<hbm>> -> memref<128xi32, #tpu.memory_space<hbm>>
      tpu.enqueue_dma source(%dma_start3A_169 : memref<128xi32, #tpu.memory_space<hbm>>) target(%dma_start3A_168 : memref<128xi32, #tpu.memory_space<vmem>>) target_semaphore(%arg20 : memref<!tpu.dma_semaphore, #tpu.memory_space<semaphore_mem>>)
      %add3A_170 = arith.constant 3 : i32
      %add3A_171 = arith.addi %add3A_129, %add3A_170 : i32
      %add3A_172 = arith.constant 1 : i32
      %add3A_173 = arith.addi %add3A_171, %add3A_172 : i32
      %rem3A_174 = arith.constant 81 : i32
      %rem3A_175 = arith.remsi %add3A_173, %rem3A_174 : i32
      %mul3A_176 = arith.constant 128 : i32
      %mul3A_177 = arith.muli %rem3A_175, %mul3A_176 : i32
      %add3A_178 = arith.addi %mul3A_2, %mul3A_177 : i32
      %dma_wait3A_179 = arith.constant 1 : i32
      %dma_wait3A_180 = arith.constant 0 : i32
      %dma_wait3A_181 = tpu.memref_slice %arg8[%dma_wait3A_179, %dma_wait3A_180] : memref<3x128xi32, #tpu.memory_space<vmem>> -> memref<1x128xi32, #tpu.memory_space<vmem>>
      %dma_wait3A_182 = tpu.memref_squeeze %dma_wait3A_181 : memref<1x128xi32, #tpu.memory_space<vmem>> -> memref<128xi32, #tpu.memory_space<vmem>>
      %dma_wait3A_183 = arith.constant 0 : i32
      %dma_wait3A_184 = arith.constant 0 : i32
      %dma_wait3A_185 = tpu.memref_slice %arg2[%dma_wait3A_183, %dma_wait3A_184] : memref<10000x128xf32, #tpu.memory_space<hbm>> -> memref<10000x128xf32, #tpu.memory_space<hbm>>
      tpu.wait_indirect_dma semaphore(%arg15 : memref<!tpu.dma_semaphore, #tpu.memory_space<semaphore_mem>>) src(%dma_wait3A_185 : memref<10000x128xf32, #tpu.memory_space<hbm>>) dst(%arg11 : memref<128x128xf32, #tpu.memory_space<vmem>>)
      %dma_wait3A_186 = arith.constant 1 : i32
      %dma_wait3A_187 = arith.constant 0 : i32
      %dma_wait3A_188 = tpu.memref_slice %arg9[%dma_wait3A_186, %dma_wait3A_187] : memref<3x128xi32, #tpu.memory_space<vmem>> -> memref<1x128xi32, #tpu.memory_space<vmem>>
      %dma_wait3A_189 = tpu.memref_squeeze %dma_wait3A_188 : memref<1x128xi32, #tpu.memory_space<vmem>> -> memref<128xi32, #tpu.memory_space<vmem>>
      %dma_wait3A_190 = tpu.memref_slice %arg4[%add3A_178] : memref<331776xi32, #tpu.memory_space<hbm>> -> memref<128xi32, #tpu.memory_space<hbm>>
      %dma_wait3A_191 = arith.constant 0 : i32
      %dma_wait3A_192 = tpu.memref_slice %arg9[%dma_wait3A_186, %dma_wait3A_191] : memref<3x128xi32, #tpu.memory_space<vmem>> -> memref<1x128xi32, #tpu.memory_space<vmem>>
      %dma_wait3A_193 = tpu.memref_squeeze %dma_wait3A_192 : memref<1x128xi32, #tpu.memory_space<vmem>> -> memref<128xi32, #tpu.memory_space<vmem>>
      %dma_wait3A_194 = tpu.memref_slice %arg4[%add3A_178] : memref<331776xi32, #tpu.memory_space<hbm>> -> memref<128xi32, #tpu.memory_space<hbm>>
      tpu.wait_dma2 semaphore(%arg24 : memref<!tpu.dma_semaphore, #tpu.memory_space<semaphore_mem>>) src(%dma_wait3A_194 : memref<128xi32, #tpu.memory_space<hbm>>) dst(%dma_wait3A_193 : memref<128xi32, #tpu.memory_space<vmem>>)
      %dma_start3A_195 = arith.constant 1 : i32
      %dma_start3A_196 = arith.constant 0 : i32
      %dma_start3A_197 = tpu.memref_slice %arg9[%dma_start3A_195, %dma_start3A_196] : memref<3x128xi32, #tpu.memory_space<vmem>> -> memref<1x128xi32, #tpu.memory_space<vmem>>
      %dma_start3A_198 = tpu.memref_squeeze %dma_start3A_197 : memref<1x128xi32, #tpu.memory_space<vmem>> -> memref<128xi32, #tpu.memory_space<vmem>>
      %dma_start3A_199 = arith.constant 0 : i32
      %dma_start3A_200 = arith.constant 0 : i32
      %dma_start3A_201 = tpu.memref_slice %arg13[%dma_start3A_199, %dma_start3A_200] : memref<10112x128xf32, #tpu.memory_space<vmem_shared>> -> memref<10112x128xf32, #tpu.memory_space<vmem_shared>>
      tpu.enqueue_indirect_dma source(%arg11 : memref<128x128xf32, #tpu.memory_space<vmem>>) target(%dma_start3A_201 : memref<10112x128xf32, #tpu.memory_space<vmem_shared>>) offsets(%dma_start3A_198 : memref<128xi32, #tpu.memory_space<vmem>>) semaphore(%arg18 : memref<!tpu.dma_semaphore, #tpu.memory_space<semaphore_mem>>) {add = true}
      %dma_start3A_202 = arith.constant 1 : i32
      %dma_start3A_203 = arith.constant 0 : i32
      %dma_start3A_204 = tpu.memref_slice %arg8[%dma_start3A_202, %dma_start3A_203] : memref<3x128xi32, #tpu.memory_space<vmem>> -> memref<1x128xi32, #tpu.memory_space<vmem>>
      %dma_start3A_205 = tpu.memref_squeeze %dma_start3A_204 : memref<1x128xi32, #tpu.memory_space<vmem>> -> memref<128xi32, #tpu.memory_space<vmem>>
      %dma_start3A_206 = tpu.memref_slice %arg3[%add3A_178] : memref<331776xi32, #tpu.memory_space<hbm>> -> memref<128xi32, #tpu.memory_space<hbm>>
      %dma_start3A_207 = arith.constant 0 : i32
      %dma_start3A_208 = tpu.memref_slice %arg8[%dma_start3A_202, %dma_start3A_207] : memref<3x128xi32, #tpu.memory_space<vmem>> -> memref<1x128xi32, #tpu.memory_space<vmem>>
      %dma_start3A_209 = tpu.memref_squeeze %dma_start3A_208 : memref<1x128xi32, #tpu.memory_space<vmem>> -> memref<128xi32, #tpu.memory_space<vmem>>
      %dma_start3A_210 = tpu.memref_slice %arg3[%add3A_178] : memref<331776xi32, #tpu.memory_space<hbm>> -> memref<128xi32, #tpu.memory_space<hbm>>
      tpu.enqueue_dma source(%dma_start3A_210 : memref<128xi32, #tpu.memory_space<hbm>>) target(%dma_start3A_209 : memref<128xi32, #tpu.memory_space<vmem>>) target_semaphore(%arg21 : memref<!tpu.dma_semaphore, #tpu.memory_space<semaphore_mem>>)
      %add3A_211 = arith.constant 3 : i32
      %add3A_212 = arith.addi %add3A_129, %add3A_211 : i32
      %add3A_213 = arith.constant 2 : i32
      %add3A_214 = arith.addi %add3A_212, %add3A_213 : i32
      %rem3A_215 = arith.constant 81 : i32
      %rem3A_216 = arith.remsi %add3A_214, %rem3A_215 : i32
      %mul3A_217 = arith.constant 128 : i32
      %mul3A_218 = arith.muli %rem3A_216, %mul3A_217 : i32
      %add3A_219 = arith.addi %mul3A_2, %mul3A_218 : i32
      %dma_wait3A_220 = arith.constant 2 : i32
      %dma_wait3A_221 = arith.constant 0 : i32
      %dma_wait3A_222 = tpu.memref_slice %arg8[%dma_wait3A_220, %dma_wait3A_221] : memref<3x128xi32, #tpu.memory_space<vmem>> -> memref<1x128xi32, #tpu.memory_space<vmem>>
      %dma_wait3A_223 = tpu.memref_squeeze %dma_wait3A_222 : memref<1x128xi32, #tpu.memory_space<vmem>> -> memref<128xi32, #tpu.memory_space<vmem>>
      %dma_wait3A_224 = arith.constant 0 : i32
      %dma_wait3A_225 = arith.constant 0 : i32
      %dma_wait3A_226 = tpu.memref_slice %arg2[%dma_wait3A_224, %dma_wait3A_225] : memref<10000x128xf32, #tpu.memory_space<hbm>> -> memref<10000x128xf32, #tpu.memory_space<hbm>>
      tpu.wait_indirect_dma semaphore(%arg16 : memref<!tpu.dma_semaphore, #tpu.memory_space<semaphore_mem>>) src(%dma_wait3A_226 : memref<10000x128xf32, #tpu.memory_space<hbm>>) dst(%arg12 : memref<128x128xf32, #tpu.memory_space<vmem>>)
      %dma_wait3A_227 = arith.constant 2 : i32
      %dma_wait3A_228 = arith.constant 0 : i32
      %dma_wait3A_229 = tpu.memref_slice %arg9[%dma_wait3A_227, %dma_wait3A_228] : memref<3x128xi32, #tpu.memory_space<vmem>> -> memref<1x128xi32, #tpu.memory_space<vmem>>
      %dma_wait3A_230 = tpu.memref_squeeze %dma_wait3A_229 : memref<1x128xi32, #tpu.memory_space<vmem>> -> memref<128xi32, #tpu.memory_space<vmem>>
      %dma_wait3A_231 = tpu.memref_slice %arg4[%add3A_219] : memref<331776xi32, #tpu.memory_space<hbm>> -> memref<128xi32, #tpu.memory_space<hbm>>
      %dma_wait3A_232 = arith.constant 0 : i32
      %dma_wait3A_233 = tpu.memref_slice %arg9[%dma_wait3A_227, %dma_wait3A_232] : memref<3x128xi32, #tpu.memory_space<vmem>> -> memref<1x128xi32, #tpu.memory_space<vmem>>
      %dma_wait3A_234 = tpu.memref_squeeze %dma_wait3A_233 : memref<1x128xi32, #tpu.memory_space<vmem>> -> memref<128xi32, #tpu.memory_space<vmem>>
      %dma_wait3A_235 = tpu.memref_slice %arg4[%add3A_219] : memref<331776xi32, #tpu.memory_space<hbm>> -> memref<128xi32, #tpu.memory_space<hbm>>
      tpu.wait_dma2 semaphore(%arg25 : memref<!tpu.dma_semaphore, #tpu.memory_space<semaphore_mem>>) src(%dma_wait3A_235 : memref<128xi32, #tpu.memory_space<hbm>>) dst(%dma_wait3A_234 : memref<128xi32, #tpu.memory_space<vmem>>)
      %dma_start3A_236 = arith.constant 2 : i32
      %dma_start3A_237 = arith.constant 0 : i32
      %dma_start3A_238 = tpu.memref_slice %arg9[%dma_start3A_236, %dma_start3A_237] : memref<3x128xi32, #tpu.memory_space<vmem>> -> memref<1x128xi32, #tpu.memory_space<vmem>>
      %dma_start3A_239 = tpu.memref_squeeze %dma_start3A_238 : memref<1x128xi32, #tpu.memory_space<vmem>> -> memref<128xi32, #tpu.memory_space<vmem>>
      %dma_start3A_240 = arith.constant 0 : i32
      %dma_start3A_241 = arith.constant 0 : i32
      %dma_start3A_242 = tpu.memref_slice %arg13[%dma_start3A_240, %dma_start3A_241] : memref<10112x128xf32, #tpu.memory_space<vmem_shared>> -> memref<10112x128xf32, #tpu.memory_space<vmem_shared>>
      tpu.enqueue_indirect_dma source(%arg12 : memref<128x128xf32, #tpu.memory_space<vmem>>) target(%dma_start3A_242 : memref<10112x128xf32, #tpu.memory_space<vmem_shared>>) offsets(%dma_start3A_239 : memref<128xi32, #tpu.memory_space<vmem>>) semaphore(%arg19 : memref<!tpu.dma_semaphore, #tpu.memory_space<semaphore_mem>>) {add = true}
      %dma_start3A_243 = arith.constant 2 : i32
      %dma_start3A_244 = arith.constant 0 : i32
      %dma_start3A_245 = tpu.memref_slice %arg8[%dma_start3A_243, %dma_start3A_244] : memref<3x128xi32, #tpu.memory_space<vmem>> -> memref<1x128xi32, #tpu.memory_space<vmem>>
      %dma_start3A_246 = tpu.memref_squeeze %dma_start3A_245 : memref<1x128xi32, #tpu.memory_space<vmem>> -> memref<128xi32, #tpu.memory_space<vmem>>
      %dma_start3A_247 = tpu.memref_slice %arg3[%add3A_219] : memref<331776xi32, #tpu.memory_space<hbm>> -> memref<128xi32, #tpu.memory_space<hbm>>
      %dma_start3A_248 = arith.constant 0 : i32
      %dma_start3A_249 = tpu.memref_slice %arg8[%dma_start3A_243, %dma_start3A_248] : memref<3x128xi32, #tpu.memory_space<vmem>> -> memref<1x128xi32, #tpu.memory_space<vmem>>
      %dma_start3A_250 = tpu.memref_squeeze %dma_start3A_249 : memref<1x128xi32, #tpu.memory_space<vmem>> -> memref<128xi32, #tpu.memory_space<vmem>>
      %dma_start3A_251 = tpu.memref_slice %arg3[%add3A_219] : memref<331776xi32, #tpu.memory_space<hbm>> -> memref<128xi32, #tpu.memory_space<hbm>>
      tpu.enqueue_dma source(%dma_start3A_251 : memref<128xi32, #tpu.memory_space<hbm>>) target(%dma_start3A_250 : memref<128xi32, #tpu.memory_space<vmem>>) target_semaphore(%arg22 : memref<!tpu.dma_semaphore, #tpu.memory_space<semaphore_mem>>)
      %add3A_252 = arith.constant 3 : i32
      %add3A_253 = arith.addi %add3A_129, %add3A_252 : i32
      %add3A_254 = arith.constant 0 : i32
      %add3A_255 = arith.addi %add3A_253, %add3A_254 : i32
      %rem3A_256 = arith.constant 81 : i32
      %rem3A_257 = arith.remsi %add3A_255, %rem3A_256 : i32
      %mul3A_258 = arith.constant 128 : i32
      %mul3A_259 = arith.muli %rem3A_257, %mul3A_258 : i32
      %add3A_260 = arith.addi %mul3A_2, %mul3A_259 : i32
      %dma_wait3A_261 = arith.constant 0 : i32
      %dma_wait3A_262 = arith.constant 0 : i32
      %dma_wait3A_263 = tpu.memref_slice %arg9[%dma_wait3A_261, %dma_wait3A_262] : memref<3x128xi32, #tpu.memory_space<vmem>> -> memref<1x128xi32, #tpu.memory_space<vmem>>
      %dma_wait3A_264 = tpu.memref_squeeze %dma_wait3A_263 : memref<1x128xi32, #tpu.memory_space<vmem>> -> memref<128xi32, #tpu.memory_space<vmem>>
      %dma_wait3A_265 = arith.constant 0 : i32
      %dma_wait3A_266 = arith.constant 0 : i32
      %dma_wait3A_267 = tpu.memref_slice %arg13[%dma_wait3A_265, %dma_wait3A_266] : memref<10112x128xf32, #tpu.memory_space<vmem_shared>> -> memref<10112x128xf32, #tpu.memory_space<vmem_shared>>
      tpu.wait_indirect_dma semaphore(%arg17 : memref<!tpu.dma_semaphore, #tpu.memory_space<semaphore_mem>>) src(%arg10 : memref<128x128xf32, #tpu.memory_space<vmem>>) dst(%dma_wait3A_267 : memref<10112x128xf32, #tpu.memory_space<vmem_shared>>)
      %dma_start3A_268 = arith.constant 0 : i32
      %dma_start3A_269 = arith.constant 0 : i32
      %dma_start3A_270 = tpu.memref_slice %arg9[%dma_start3A_268, %dma_start3A_269] : memref<3x128xi32, #tpu.memory_space<vmem>> -> memref<1x128xi32, #tpu.memory_space<vmem>>
      %dma_start3A_271 = tpu.memref_squeeze %dma_start3A_270 : memref<1x128xi32, #tpu.memory_space<vmem>> -> memref<128xi32, #tpu.memory_space<vmem>>
      %dma_start3A_272 = tpu.memref_slice %arg4[%add3A_260] : memref<331776xi32, #tpu.memory_space<hbm>> -> memref<128xi32, #tpu.memory_space<hbm>>
      %dma_start3A_273 = arith.constant 0 : i32
      %dma_start3A_274 = tpu.memref_slice %arg9[%dma_start3A_268, %dma_start3A_273] : memref<3x128xi32, #tpu.memory_space<vmem>> -> memref<1x128xi32, #tpu.memory_space<vmem>>
      %dma_start3A_275 = tpu.memref_squeeze %dma_start3A_274 : memref<1x128xi32, #tpu.memory_space<vmem>> -> memref<128xi32, #tpu.memory_space<vmem>>
      %dma_start3A_276 = tpu.memref_slice %arg4[%add3A_260] : memref<331776xi32, #tpu.memory_space<hbm>> -> memref<128xi32, #tpu.memory_space<hbm>>
      tpu.enqueue_dma source(%dma_start3A_276 : memref<128xi32, #tpu.memory_space<hbm>>) target(%dma_start3A_275 : memref<128xi32, #tpu.memory_space<vmem>>) target_semaphore(%arg23 : memref<!tpu.dma_semaphore, #tpu.memory_space<semaphore_mem>>)
      %dma_wait3A_277 = arith.constant 0 : i32
      %dma_wait3A_278 = arith.constant 0 : i32
      %dma_wait3A_279 = tpu.memref_slice %arg8[%dma_wait3A_277, %dma_wait3A_278] : memref<3x128xi32, #tpu.memory_space<vmem>> -> memref<1x128xi32, #tpu.memory_space<vmem>>
      %dma_wait3A_280 = tpu.memref_squeeze %dma_wait3A_279 : memref<1x128xi32, #tpu.memory_space<vmem>> -> memref<128xi32, #tpu.memory_space<vmem>>
      %dma_wait3A_281 = tpu.memref_slice %arg3[%add3A_260] : memref<331776xi32, #tpu.memory_space<hbm>> -> memref<128xi32, #tpu.memory_space<hbm>>
      %dma_wait3A_282 = arith.constant 0 : i32
      %dma_wait3A_283 = tpu.memref_slice %arg8[%dma_wait3A_277, %dma_wait3A_282] : memref<3x128xi32, #tpu.memory_space<vmem>> -> memref<1x128xi32, #tpu.memory_space<vmem>>
      %dma_wait3A_284 = tpu.memref_squeeze %dma_wait3A_283 : memref<1x128xi32, #tpu.memory_space<vmem>> -> memref<128xi32, #tpu.memory_space<vmem>>
      %dma_wait3A_285 = tpu.memref_slice %arg3[%add3A_260] : memref<331776xi32, #tpu.memory_space<hbm>> -> memref<128xi32, #tpu.memory_space<hbm>>
      tpu.wait_dma2 semaphore(%arg20 : memref<!tpu.dma_semaphore, #tpu.memory_space<semaphore_mem>>) src(%dma_wait3A_285 : memref<128xi32, #tpu.memory_space<hbm>>) dst(%dma_wait3A_284 : memref<128xi32, #tpu.memory_space<vmem>>)
      %dma_start3A_286 = arith.constant 0 : i32
      %dma_start3A_287 = arith.constant 0 : i32
      %dma_start3A_288 = tpu.memref_slice %arg8[%dma_start3A_286, %dma_start3A_287] : memref<3x128xi32, #tpu.memory_space<vmem>> -> memref<1x128xi32, #tpu.memory_space<vmem>>
      %dma_start3A_289 = tpu.memref_squeeze %dma_start3A_288 : memref<1x128xi32, #tpu.memory_space<vmem>> -> memref<128xi32, #tpu.memory_space<vmem>>
      %dma_start3A_290 = arith.constant 0 : i32
      %dma_start3A_291 = arith.constant 0 : i32
      %dma_start3A_292 = tpu.memref_slice %arg2[%dma_start3A_290, %dma_start3A_291] : memref<10000x128xf32, #tpu.memory_space<hbm>> -> memref<10000x128xf32, #tpu.memory_space<hbm>>
      tpu.enqueue_indirect_dma source(%dma_start3A_292 : memref<10000x128xf32, #tpu.memory_space<hbm>>) target(%arg10 : memref<128x128xf32, #tpu.memory_space<vmem>>) offsets(%dma_start3A_289 : memref<128xi32, #tpu.memory_space<vmem>>) semaphore(%arg14 : memref<!tpu.dma_semaphore, #tpu.memory_space<semaphore_mem>>)
      %add3A_293 = arith.constant 3 : i32
      %add3A_294 = arith.addi %add3A_129, %add3A_293 : i32
      %add3A_295 = arith.constant 1 : i32
      %add3A_296 = arith.addi %add3A_294, %add3A_295 : i32
      %rem3A_297 = arith.constant 81 : i32
      %rem3A_298 = arith.remsi %add3A_296, %rem3A_297 : i32
      %mul3A_299 = arith.constant 128 : i32
      %mul3A_300 = arith.muli %rem3A_298, %mul3A_299 : i32
      %add3A_301 = arith.addi %mul3A_2, %mul3A_300 : i32
      %dma_wait3A_302 = arith.constant 1 : i32
      %dma_wait3A_303 = arith.constant 0 : i32
      %dma_wait3A_304 = tpu.memref_slice %arg9[%dma_wait3A_302, %dma_wait3A_303] : memref<3x128xi32, #tpu.memory_space<vmem>> -> memref<1x128xi32, #tpu.memory_space<vmem>>
      %dma_wait3A_305 = tpu.memref_squeeze %dma_wait3A_304 : memref<1x128xi32, #tpu.memory_space<vmem>> -> memref<128xi32, #tpu.memory_space<vmem>>
      %dma_wait3A_306 = arith.constant 0 : i32
      %dma_wait3A_307 = arith.constant 0 : i32
      %dma_wait3A_308 = tpu.memref_slice %arg13[%dma_wait3A_306, %dma_wait3A_307] : memref<10112x128xf32, #tpu.memory_space<vmem_shared>> -> memref<10112x128xf32, #tpu.memory_space<vmem_shared>>
      tpu.wait_indirect_dma semaphore(%arg18 : memref<!tpu.dma_semaphore, #tpu.memory_space<semaphore_mem>>) src(%arg11 : memref<128x128xf32, #tpu.memory_space<vmem>>) dst(%dma_wait3A_308 : memref<10112x128xf32, #tpu.memory_space<vmem_shared>>)
      %dma_start3A_309 = arith.constant 1 : i32
      %dma_start3A_310 = arith.constant 0 : i32
      %dma_start3A_311 = tpu.memref_slice %arg9[%dma_start3A_309, %dma_start3A_310] : memref<3x128xi32, #tpu.memory_space<vmem>> -> memref<1x128xi32, #tpu.memory_space<vmem>>
      %dma_start3A_312 = tpu.memref_squeeze %dma_start3A_311 : memref<1x128xi32, #tpu.memory_space<vmem>> -> memref<128xi32, #tpu.memory_space<vmem>>
      %dma_start3A_313 = tpu.memref_slice %arg4[%add3A_301] : memref<331776xi32, #tpu.memory_space<hbm>> -> memref<128xi32, #tpu.memory_space<hbm>>
      %dma_start3A_314 = arith.constant 0 : i32
      %dma_start3A_315 = tpu.memref_slice %arg9[%dma_start3A_309, %dma_start3A_314] : memref<3x128xi32, #tpu.memory_space<vmem>> -> memref<1x128xi32, #tpu.memory_space<vmem>>
      %dma_start3A_316 = tpu.memref_squeeze %dma_start3A_315 : memref<1x128xi32, #tpu.memory_space<vmem>> -> memref<128xi32, #tpu.memory_space<vmem>>
      %dma_start3A_317 = tpu.memref_slice %arg4[%add3A_301] : memref<331776xi32, #tpu.memory_space<hbm>> -> memref<128xi32, #tpu.memory_space<hbm>>
      tpu.enqueue_dma source(%dma_start3A_317 : memref<128xi32, #tpu.memory_space<hbm>>) target(%dma_start3A_316 : memref<128xi32, #tpu.memory_space<vmem>>) target_semaphore(%arg24 : memref<!tpu.dma_semaphore, #tpu.memory_space<semaphore_mem>>)
      %dma_wait3A_318 = arith.constant 1 : i32
      %dma_wait3A_319 = arith.constant 0 : i32
      %dma_wait3A_320 = tpu.memref_slice %arg8[%dma_wait3A_318, %dma_wait3A_319] : memref<3x128xi32, #tpu.memory_space<vmem>> -> memref<1x128xi32, #tpu.memory_space<vmem>>
      %dma_wait3A_321 = tpu.memref_squeeze %dma_wait3A_320 : memref<1x128xi32, #tpu.memory_space<vmem>> -> memref<128xi32, #tpu.memory_space<vmem>>
      %dma_wait3A_322 = tpu.memref_slice %arg3[%add3A_301] : memref<331776xi32, #tpu.memory_space<hbm>> -> memref<128xi32, #tpu.memory_space<hbm>>
      %dma_wait3A_323 = arith.constant 0 : i32
      %dma_wait3A_324 = tpu.memref_slice %arg8[%dma_wait3A_318, %dma_wait3A_323] : memref<3x128xi32, #tpu.memory_space<vmem>> -> memref<1x128xi32, #tpu.memory_space<vmem>>
      %dma_wait3A_325 = tpu.memref_squeeze %dma_wait3A_324 : memref<1x128xi32, #tpu.memory_space<vmem>> -> memref<128xi32, #tpu.memory_space<vmem>>
      %dma_wait3A_326 = tpu.memref_slice %arg3[%add3A_301] : memref<331776xi32, #tpu.memory_space<hbm>> -> memref<128xi32, #tpu.memory_space<hbm>>
      tpu.wait_dma2 semaphore(%arg21 : memref<!tpu.dma_semaphore, #tpu.memory_space<semaphore_mem>>) src(%dma_wait3A_326 : memref<128xi32, #tpu.memory_space<hbm>>) dst(%dma_wait3A_325 : memref<128xi32, #tpu.memory_space<vmem>>)
      %dma_start3A_327 = arith.constant 1 : i32
      %dma_start3A_328 = arith.constant 0 : i32
      %dma_start3A_329 = tpu.memref_slice %arg8[%dma_start3A_327, %dma_start3A_328] : memref<3x128xi32, #tpu.memory_space<vmem>> -> memref<1x128xi32, #tpu.memory_space<vmem>>
      %dma_start3A_330 = tpu.memref_squeeze %dma_start3A_329 : memref<1x128xi32, #tpu.memory_space<vmem>> -> memref<128xi32, #tpu.memory_space<vmem>>
      %dma_start3A_331 = arith.constant 0 : i32
      %dma_start3A_332 = arith.constant 0 : i32
      %dma_start3A_333 = tpu.memref_slice %arg2[%dma_start3A_331, %dma_start3A_332] : memref<10000x128xf32, #tpu.memory_space<hbm>> -> memref<10000x128xf32, #tpu.memory_space<hbm>>
      tpu.enqueue_indirect_dma source(%dma_start3A_333 : memref<10000x128xf32, #tpu.memory_space<hbm>>) target(%arg11 : memref<128x128xf32, #tpu.memory_space<vmem>>) offsets(%dma_start3A_330 : memref<128xi32, #tpu.memory_space<vmem>>) semaphore(%arg15 : memref<!tpu.dma_semaphore, #tpu.memory_space<semaphore_mem>>)
      %add3A_334 = arith.constant 3 : i32
      %add3A_335 = arith.addi %add3A_129, %add3A_334 : i32
      %add3A_336 = arith.constant 2 : i32
      %add3A_337 = arith.addi %add3A_335, %add3A_336 : i32
      %rem3A_338 = arith.constant 81 : i32
      %rem3A_339 = arith.remsi %add3A_337, %rem3A_338 : i32
      %mul3A_340 = arith.constant 128 : i32
      %mul3A_341 = arith.muli %rem3A_339, %mul3A_340 : i32
      %add3A_342 = arith.addi %mul3A_2, %mul3A_341 : i32
      %dma_wait3A_343 = arith.constant 2 : i32
      %dma_wait3A_344 = arith.constant 0 : i32
      %dma_wait3A_345 = tpu.memref_slice %arg9[%dma_wait3A_343, %dma_wait3A_344] : memref<3x128xi32, #tpu.memory_space<vmem>> -> memref<1x128xi32, #tpu.memory_space<vmem>>
      %dma_wait3A_346 = tpu.memref_squeeze %dma_wait3A_345 : memref<1x128xi32, #tpu.memory_space<vmem>> -> memref<128xi32, #tpu.memory_space<vmem>>
      %dma_wait3A_347 = arith.constant 0 : i32
      %dma_wait3A_348 = arith.constant 0 : i32
      %dma_wait3A_349 = tpu.memref_slice %arg13[%dma_wait3A_347, %dma_wait3A_348] : memref<10112x128xf32, #tpu.memory_space<vmem_shared>> -> memref<10112x128xf32, #tpu.memory_space<vmem_shared>>
      tpu.wait_indirect_dma semaphore(%arg19 : memref<!tpu.dma_semaphore, #tpu.memory_space<semaphore_mem>>) src(%arg12 : memref<128x128xf32, #tpu.memory_space<vmem>>) dst(%dma_wait3A_349 : memref<10112x128xf32, #tpu.memory_space<vmem_shared>>)
      %dma_start3A_350 = arith.constant 2 : i32
      %dma_start3A_351 = arith.constant 0 : i32
      %dma_start3A_352 = tpu.memref_slice %arg9[%dma_start3A_350, %dma_start3A_351] : memref<3x128xi32, #tpu.memory_space<vmem>> -> memref<1x128xi32, #tpu.memory_space<vmem>>
      %dma_start3A_353 = tpu.memref_squeeze %dma_start3A_352 : memref<1x128xi32, #tpu.memory_space<vmem>> -> memref<128xi32, #tpu.memory_space<vmem>>
      %dma_start3A_354 = tpu.memref_slice %arg4[%add3A_342] : memref<331776xi32, #tpu.memory_space<hbm>> -> memref<128xi32, #tpu.memory_space<hbm>>
      %dma_start3A_355 = arith.constant 0 : i32
      %dma_start3A_356 = tpu.memref_slice %arg9[%dma_start3A_350, %dma_start3A_355] : memref<3x128xi32, #tpu.memory_space<vmem>> -> memref<1x128xi32, #tpu.memory_space<vmem>>
      %dma_start3A_357 = tpu.memref_squeeze %dma_start3A_356 : memref<1x128xi32, #tpu.memory_space<vmem>> -> memref<128xi32, #tpu.memory_space<vmem>>
      %dma_start3A_358 = tpu.memref_slice %arg4[%add3A_342] : memref<331776xi32, #tpu.memory_space<hbm>> -> memref<128xi32, #tpu.memory_space<hbm>>
      tpu.enqueue_dma source(%dma_start3A_358 : memref<128xi32, #tpu.memory_space<hbm>>) target(%dma_start3A_357 : memref<128xi32, #tpu.memory_space<vmem>>) target_semaphore(%arg25 : memref<!tpu.dma_semaphore, #tpu.memory_space<semaphore_mem>>)
      %dma_wait3A_359 = arith.constant 2 : i32
      %dma_wait3A_360 = arith.constant 0 : i32
      %dma_wait3A_361 = tpu.memref_slice %arg8[%dma_wait3A_359, %dma_wait3A_360] : memref<3x128xi32, #tpu.memory_space<vmem>> -> memref<1x128xi32, #tpu.memory_space<vmem>>
      %dma_wait3A_362 = tpu.memref_squeeze %dma_wait3A_361 : memref<1x128xi32, #tpu.memory_space<vmem>> -> memref<128xi32, #tpu.memory_space<vmem>>
      %dma_wait3A_363 = tpu.memref_slice %arg3[%add3A_342] : memref<331776xi32, #tpu.memory_space<hbm>> -> memref<128xi32, #tpu.memory_space<hbm>>
      %dma_wait3A_364 = arith.constant 0 : i32
      %dma_wait3A_365 = tpu.memref_slice %arg8[%dma_wait3A_359, %dma_wait3A_364] : memref<3x128xi32, #tpu.memory_space<vmem>> -> memref<1x128xi32, #tpu.memory_space<vmem>>
      %dma_wait3A_366 = tpu.memref_squeeze %dma_wait3A_365 : memref<1x128xi32, #tpu.memory_space<vmem>> -> memref<128xi32, #tpu.memory_space<vmem>>
      %dma_wait3A_367 = tpu.memref_slice %arg3[%add3A_342] : memref<331776xi32, #tpu.memory_space<hbm>> -> memref<128xi32, #tpu.memory_space<hbm>>
      tpu.wait_dma2 semaphore(%arg22 : memref<!tpu.dma_semaphore, #tpu.memory_space<semaphore_mem>>) src(%dma_wait3A_367 : memref<128xi32, #tpu.memory_space<hbm>>) dst(%dma_wait3A_366 : memref<128xi32, #tpu.memory_space<vmem>>)
      %dma_start3A_368 = arith.constant 2 : i32
      %dma_start3A_369 = arith.constant 0 : i32
      %dma_start3A_370 = tpu.memref_slice %arg8[%dma_start3A_368, %dma_start3A_369] : memref<3x128xi32, #tpu.memory_space<vmem>> -> memref<1x128xi32, #tpu.memory_space<vmem>>
      %dma_start3A_371 = tpu.memref_squeeze %dma_start3A_370 : memref<1x128xi32, #tpu.memory_space<vmem>> -> memref<128xi32, #tpu.memory_space<vmem>>
      %dma_start3A_372 = arith.constant 0 : i32
      %dma_start3A_373 = arith.constant 0 : i32
      %dma_start3A_374 = tpu.memref_slice %arg2[%dma_start3A_372, %dma_start3A_373] : memref<10000x128xf32, #tpu.memory_space<hbm>> -> memref<10000x128xf32, #tpu.memory_space<hbm>>
      tpu.enqueue_indirect_dma source(%dma_start3A_374 : memref<10000x128xf32, #tpu.memory_space<hbm>>) target(%arg12 : memref<128x128xf32, #tpu.memory_space<vmem>>) offsets(%dma_start3A_371 : memref<128xi32, #tpu.memory_space<vmem>>) semaphore(%arg16 : memref<!tpu.dma_semaphore, #tpu.memory_space<semaphore_mem>>)
    }
    %scan3A_69 = arith.constant 27 : i32
    %dma_wait3A = arith.constant 0 : i32
    %dma_wait3A_70 = arith.constant 0 : i32
    %dma_wait3A_71 = tpu.memref_slice %arg8[%dma_wait3A, %dma_wait3A_70] : memref<3x128xi32, #tpu.memory_space<vmem>> -> memref<1x128xi32, #tpu.memory_space<vmem>>
    %dma_wait3A_72 = tpu.memref_squeeze %dma_wait3A_71 : memref<1x128xi32, #tpu.memory_space<vmem>> -> memref<128xi32, #tpu.memory_space<vmem>>
    %dma_wait3A_73 = arith.constant 0 : i32
    %dma_wait3A_74 = arith.constant 0 : i32
    %dma_wait3A_75 = tpu.memref_slice %arg2[%dma_wait3A_73, %dma_wait3A_74] : memref<10000x128xf32, #tpu.memory_space<hbm>> -> memref<10000x128xf32, #tpu.memory_space<hbm>>
    tpu.wait_indirect_dma semaphore(%arg14 : memref<!tpu.dma_semaphore, #tpu.memory_space<semaphore_mem>>) src(%dma_wait3A_75 : memref<10000x128xf32, #tpu.memory_space<hbm>>) dst(%arg10 : memref<128x128xf32, #tpu.memory_space<vmem>>)
    %dma_wait3A_76 = arith.constant 0 : i32
    %dma_wait3A_77 = arith.constant 0 : i32
    %dma_wait3A_78 = tpu.memref_slice %arg9[%dma_wait3A_76, %dma_wait3A_77] : memref<3x128xi32, #tpu.memory_space<vmem>> -> memref<1x128xi32, #tpu.memory_space<vmem>>
    %dma_wait3A_79 = tpu.memref_squeeze %dma_wait3A_78 : memref<1x128xi32, #tpu.memory_space<vmem>> -> memref<128xi32, #tpu.memory_space<vmem>>
    %dma_wait3A_80 = tpu.memref_slice %arg4[%mul3A_2] : memref<331776xi32, #tpu.memory_space<hbm>> -> memref<128xi32, #tpu.memory_space<hbm>>
    %dma_wait3A_81 = arith.constant 0 : i32
    %dma_wait3A_82 = tpu.memref_slice %arg9[%dma_wait3A_76, %dma_wait3A_81] : memref<3x128xi32, #tpu.memory_space<vmem>> -> memref<1x128xi32, #tpu.memory_space<vmem>>
    %dma_wait3A_83 = tpu.memref_squeeze %dma_wait3A_82 : memref<1x128xi32, #tpu.memory_space<vmem>> -> memref<128xi32, #tpu.memory_space<vmem>>
    %dma_wait3A_84 = tpu.memref_slice %arg4[%mul3A_2] : memref<331776xi32, #tpu.memory_space<hbm>> -> memref<128xi32, #tpu.memory_space<hbm>>
    tpu.wait_dma2 semaphore(%arg23 : memref<!tpu.dma_semaphore, #tpu.memory_space<semaphore_mem>>) src(%dma_wait3A_84 : memref<128xi32, #tpu.memory_space<hbm>>) dst(%dma_wait3A_83 : memref<128xi32, #tpu.memory_space<vmem>>)
    %dma_wait3A_85 = arith.constant 1 : i32
    %dma_wait3A_86 = arith.constant 0 : i32
    %dma_wait3A_87 = tpu.memref_slice %arg8[%dma_wait3A_85, %dma_wait3A_86] : memref<3x128xi32, #tpu.memory_space<vmem>> -> memref<1x128xi32, #tpu.memory_space<vmem>>
    %dma_wait3A_88 = tpu.memref_squeeze %dma_wait3A_87 : memref<1x128xi32, #tpu.memory_space<vmem>> -> memref<128xi32, #tpu.memory_space<vmem>>
    %dma_wait3A_89 = arith.constant 0 : i32
    %dma_wait3A_90 = arith.constant 0 : i32
    %dma_wait3A_91 = tpu.memref_slice %arg2[%dma_wait3A_89, %dma_wait3A_90] : memref<10000x128xf32, #tpu.memory_space<hbm>> -> memref<10000x128xf32, #tpu.memory_space<hbm>>
    tpu.wait_indirect_dma semaphore(%arg15 : memref<!tpu.dma_semaphore, #tpu.memory_space<semaphore_mem>>) src(%dma_wait3A_91 : memref<10000x128xf32, #tpu.memory_space<hbm>>) dst(%arg11 : memref<128x128xf32, #tpu.memory_space<vmem>>)
    %dma_wait3A_92 = arith.constant 1 : i32
    %dma_wait3A_93 = arith.constant 0 : i32
    %dma_wait3A_94 = tpu.memref_slice %arg9[%dma_wait3A_92, %dma_wait3A_93] : memref<3x128xi32, #tpu.memory_space<vmem>> -> memref<1x128xi32, #tpu.memory_space<vmem>>
    %dma_wait3A_95 = tpu.memref_squeeze %dma_wait3A_94 : memref<1x128xi32, #tpu.memory_space<vmem>> -> memref<128xi32, #tpu.memory_space<vmem>>
    %dma_wait3A_96 = tpu.memref_slice %arg4[%mul3A_2] : memref<331776xi32, #tpu.memory_space<hbm>> -> memref<128xi32, #tpu.memory_space<hbm>>
    %dma_wait3A_97 = arith.constant 0 : i32
    %dma_wait3A_98 = tpu.memref_slice %arg9[%dma_wait3A_92, %dma_wait3A_97] : memref<3x128xi32, #tpu.memory_space<vmem>> -> memref<1x128xi32, #tpu.memory_space<vmem>>
    %dma_wait3A_99 = tpu.memref_squeeze %dma_wait3A_98 : memref<1x128xi32, #tpu.memory_space<vmem>> -> memref<128xi32, #tpu.memory_space<vmem>>
    %dma_wait3A_100 = tpu.memref_slice %arg4[%mul3A_2] : memref<331776xi32, #tpu.memory_space<hbm>> -> memref<128xi32, #tpu.memory_space<hbm>>
    tpu.wait_dma2 semaphore(%arg24 : memref<!tpu.dma_semaphore, #tpu.memory_space<semaphore_mem>>) src(%dma_wait3A_100 : memref<128xi32, #tpu.memory_space<hbm>>) dst(%dma_wait3A_99 : memref<128xi32, #tpu.memory_space<vmem>>)
    %dma_wait3A_101 = arith.constant 2 : i32
    %dma_wait3A_102 = arith.constant 0 : i32
    %dma_wait3A_103 = tpu.memref_slice %arg8[%dma_wait3A_101, %dma_wait3A_102] : memref<3x128xi32, #tpu.memory_space<vmem>> -> memref<1x128xi32, #tpu.memory_space<vmem>>
    %dma_wait3A_104 = tpu.memref_squeeze %dma_wait3A_103 : memref<1x128xi32, #tpu.memory_space<vmem>> -> memref<128xi32, #tpu.memory_space<vmem>>
    %dma_wait3A_105 = arith.constant 0 : i32
    %dma_wait3A_106 = arith.constant 0 : i32
    %dma_wait3A_107 = tpu.memref_slice %arg2[%dma_wait3A_105, %dma_wait3A_106] : memref<10000x128xf32, #tpu.memory_space<hbm>> -> memref<10000x128xf32, #tpu.memory_space<hbm>>
    tpu.wait_indirect_dma semaphore(%arg16 : memref<!tpu.dma_semaphore, #tpu.memory_space<semaphore_mem>>) src(%dma_wait3A_107 : memref<10000x128xf32, #tpu.memory_space<hbm>>) dst(%arg12 : memref<128x128xf32, #tpu.memory_space<vmem>>)
    %dma_wait3A_108 = arith.constant 2 : i32
    %dma_wait3A_109 = arith.constant 0 : i32
    %dma_wait3A_110 = tpu.memref_slice %arg9[%dma_wait3A_108, %dma_wait3A_109] : memref<3x128xi32, #tpu.memory_space<vmem>> -> memref<1x128xi32, #tpu.memory_space<vmem>>
    %dma_wait3A_111 = tpu.memref_squeeze %dma_wait3A_110 : memref<1x128xi32, #tpu.memory_space<vmem>> -> memref<128xi32, #tpu.memory_space<vmem>>
    %dma_wait3A_112 = tpu.memref_slice %arg4[%mul3A_2] : memref<331776xi32, #tpu.memory_space<hbm>> -> memref<128xi32, #tpu.memory_space<hbm>>
    %dma_wait3A_113 = arith.constant 0 : i32
    %dma_wait3A_114 = tpu.memref_slice %arg9[%dma_wait3A_108, %dma_wait3A_113] : memref<3x128xi32, #tpu.memory_space<vmem>> -> memref<1x128xi32, #tpu.memory_space<vmem>>
    %dma_wait3A_115 = tpu.memref_squeeze %dma_wait3A_114 : memref<1x128xi32, #tpu.memory_space<vmem>> -> memref<128xi32, #tpu.memory_space<vmem>>
    %dma_wait3A_116 = tpu.memref_slice %arg4[%mul3A_2] : memref<331776xi32, #tpu.memory_space<hbm>> -> memref<128xi32, #tpu.memory_space<hbm>>
    tpu.wait_dma2 semaphore(%arg25 : memref<!tpu.dma_semaphore, #tpu.memory_space<semaphore_mem>>) src(%dma_wait3A_116 : memref<128xi32, #tpu.memory_space<hbm>>) dst(%dma_wait3A_115 : memref<128xi32, #tpu.memory_space<vmem>>)
    %barrier3A_117 = arith.constant 0 : index
    tpu.barrier barrier_id(%barrier3A_117)
    %eq3A = arith.constant 0 : i32
    %eq3A_118 = arith.cmpi eq, %arg0, %eq3A : i32
    %convert_element_type3A = arith.extui %eq3A_118 : i1 to i32
    %cond3A = arith.constant 0 : i32
    %cond3A_119 = arith.cmpi ne, %convert_element_type3A, %cond3A : i32
    scf.if %cond3A_119 {
      %mul3A_125 = arith.constant 632 : i32
      %mul3A_126 = arith.muli %arg1, %mul3A_125 : i32
      %mul3A_127 = arith.constant 632 : i32
      %mul3A_128 = arith.muli %arg1, %mul3A_127 : i32
      "tpu.region"() ({
        %run_scoped3A_129 = tpu.sem_alloc : memref<!tpu.dma_semaphore, #tpu.memory_space<semaphore_mem>>
        %dma_start3A_130 = arith.constant 0 : i32
        %dma_start3A_131 = tpu.memref_slice %arg6[%mul3A_128, %dma_start3A_130] : memref<10112x128xf32, #tpu.memory_space<hbm>> -> memref<632x128xf32, #tpu.memory_space<hbm>>
        %dma_start3A_132 = arith.constant 0 : i32
        %dma_start3A_133 = tpu.memref_slice %arg13[%mul3A_126, %dma_start3A_132] : memref<10112x128xf32, #tpu.memory_space<vmem_shared>> -> memref<632x128xf32, #tpu.memory_space<vmem_shared>>
        tpu.enqueue_dma source(%dma_start3A_133 : memref<632x128xf32, #tpu.memory_space<vmem_shared>>) target(%dma_start3A_131 : memref<632x128xf32, #tpu.memory_space<hbm>>) target_semaphore(%run_scoped3A_129 : memref<!tpu.dma_semaphore, #tpu.memory_space<semaphore_mem>>)
        %dma_wait3A_134 = arith.constant 0 : i32
        %dma_wait3A_135 = tpu.memref_slice %arg6[%mul3A_128, %dma_wait3A_134] : memref<10112x128xf32, #tpu.memory_space<hbm>> -> memref<632x128xf32, #tpu.memory_space<hbm>>
        %dma_wait3A_136 = arith.constant 0 : i32
        %dma_wait3A_137 = tpu.memref_slice %arg13[%mul3A_126, %dma_wait3A_136] : memref<10112x128xf32, #tpu.memory_space<vmem_shared>> -> memref<632x128xf32, #tpu.memory_space<vmem_shared>>
        tpu.wait_dma2 semaphore(%run_scoped3A_129 : memref<!tpu.dma_semaphore, #tpu.memory_space<semaphore_mem>>) src(%dma_wait3A_137 : memref<632x128xf32, #tpu.memory_space<vmem_shared>>) dst(%dma_wait3A_135 : memref<632x128xf32, #tpu.memory_space<hbm>>)
        tpu.yield
      }) : () -> ()
    } else {
    }
    %eq3A_120 = arith.constant 1 : i32
    %eq3A_121 = arith.cmpi eq, %arg0, %eq3A_120 : i32
    %convert_element_type3A_122 = arith.extui %eq3A_121 : i1 to i32
    %cond3A_123 = arith.constant 0 : i32
    %cond3A_124 = arith.cmpi ne, %convert_element_type3A_122, %cond3A_123 : i32
    scf.if %cond3A_124 {
      %mul3A_125 = arith.constant 632 : i32
      %mul3A_126 = arith.muli %arg1, %mul3A_125 : i32
      %mul3A_127 = arith.constant 632 : i32
      %mul3A_128 = arith.muli %arg1, %mul3A_127 : i32
      "tpu.region"() ({
        %run_scoped3A_129 = tpu.sem_alloc : memref<!tpu.dma_semaphore, #tpu.memory_space<semaphore_mem>>
        %dma_start3A_130 = arith.constant 0 : i32
        %dma_start3A_131 = tpu.memref_slice %arg7[%mul3A_128, %dma_start3A_130] : memref<10112x128xf32, #tpu.memory_space<hbm>> -> memref<632x128xf32, #tpu.memory_space<hbm>>
        %dma_start3A_132 = arith.constant 0 : i32
        %dma_start3A_133 = tpu.memref_slice %arg13[%mul3A_126, %dma_start3A_132] : memref<10112x128xf32, #tpu.memory_space<vmem_shared>> -> memref<632x128xf32, #tpu.memory_space<vmem_shared>>
        tpu.enqueue_dma source(%dma_start3A_133 : memref<632x128xf32, #tpu.memory_space<vmem_shared>>) target(%dma_start3A_131 : memref<632x128xf32, #tpu.memory_space<hbm>>) target_semaphore(%run_scoped3A_129 : memref<!tpu.dma_semaphore, #tpu.memory_space<semaphore_mem>>)
        %dma_wait3A_134 = arith.constant 0 : i32
        %dma_wait3A_135 = tpu.memref_slice %arg7[%mul3A_128, %dma_wait3A_134] : memref<10112x128xf32, #tpu.memory_space<hbm>> -> memref<632x128xf32, #tpu.memory_space<hbm>>
        %dma_wait3A_136 = arith.constant 0 : i32
        %dma_wait3A_137 = tpu.memref_slice %arg13[%mul3A_126, %dma_wait3A_136] : memref<10112x128xf32, #tpu.memory_space<vmem_shared>> -> memref<632x128xf32, #tpu.memory_space<vmem_shared>>
        tpu.wait_dma2 semaphore(%run_scoped3A_129 : memref<!tpu.dma_semaphore, #tpu.memory_space<semaphore_mem>>) src(%dma_wait3A_137 : memref<632x128xf32, #tpu.memory_space<vmem_shared>>) dst(%dma_wait3A_135 : memref<632x128xf32, #tpu.memory_space<hbm>>)
        tpu.yield
      }) : () -> ()
    } else {
    }
    return
  }
}

module attributes {stable_mosaic.version = 14 : i64} {
  func.func @body(%arg0: i32, %arg1: memref<2000x128xf32, #tpu.memory_space<vmem>>, %arg2: memref<2000x128xf32, #tpu.memory_space<vmem>>, %arg3: memref<2000x128xf32, #tpu.memory_space<vmem>>, %arg4: memref<2000x1xf32, #tpu.memory_space<vmem>>, %arg5: memref<128x128xf32, #tpu.memory_space<vmem>>, %arg6: memref<128x128xf32, #tpu.memory_space<vmem>>, %arg7: memref<1x128xf32, #tpu.memory_space<vmem>>, %arg8: memref<1x128xf32, #tpu.memory_space<vmem>>, %arg9: memref<1x128xf32, #tpu.memory_space<vmem>>, %arg10: memref<2000x128xf32, #tpu.memory_space<vmem>>) attributes {dimension_semantics = [#tpu.dimension_semantics<arbitrary>], iteration_bounds = array<i64: 5>, scalar_prefetch = 0 : i64, scratch_operands = 0 : i64, tpu.core_type = #tpu.core_type<tc>, window_params = [{transform_indices = @transform_0, window_bounds = array<i64: 2000, 128>}, {transform_indices = @transform_1, window_bounds = array<i64: 2000, 128>}, {transform_indices = @transform_2, window_bounds = array<i64: 2000, 128>}, {transform_indices = @transform_3, window_bounds = array<i64: 2000, 1>}, {pipeline_mode = #tpu.pipeline_mode<synchronous>, transform_indices = @transform_4, window_bounds = array<i64: 128, 128>}, {pipeline_mode = #tpu.pipeline_mode<synchronous>, transform_indices = @transform_5, window_bounds = array<i64: 128, 128>}, {pipeline_mode = #tpu.pipeline_mode<synchronous>, transform_indices = @transform_6, window_bounds = array<i64: 1, 128>}, {pipeline_mode = #tpu.pipeline_mode<synchronous>, transform_indices = @transform_7, window_bounds = array<i64: 1, 128>}, {pipeline_mode = #tpu.pipeline_mode<synchronous>, transform_indices = @transform_8, window_bounds = array<i64: 1, 128>}, {transform_indices = @transform_9, window_bounds = array<i64: 2000, 128>}]} {
    %get3A = arith.constant 0 : index
    %get3A_0 = arith.constant 0 : index
    %get3A_1 = vector.load %arg2[%get3A, %get3A_0] : memref<2000x128xf32, #tpu.memory_space<vmem>>, vector<2000x128xf32>
    %get3A_2 = arith.constant 0 : index
    %get3A_3 = arith.constant 0 : index
    %get3A_4 = vector.load %arg3[%get3A_2, %get3A_3] : memref<2000x128xf32, #tpu.memory_space<vmem>>, vector<2000x128xf32>
    %add3A = arith.addf %get3A_1, %get3A_4 : vector<2000x128xf32>
    %get3A_5 = arith.constant 0 : index
    %get3A_6 = arith.constant 0 : index
    %get3A_7 = vector.load %arg4[%get3A_5, %get3A_6] : memref<2000x1xf32, #tpu.memory_space<vmem>>, vector<2000x1xf32>
    %div3A = vector.broadcast %get3A_7 : vector<2000x1xf32> to vector<2000x128xf32>
    %div3A_8 = arith.divf %add3A, %div3A : vector<2000x128xf32>
    %get3A_9 = arith.constant 0 : index
    %get3A_10 = arith.constant 0 : index
    %get3A_11 = vector.load %arg1[%get3A_9, %get3A_10] : memref<2000x128xf32, #tpu.memory_space<vmem>>, vector<2000x128xf32>
    %get3A_12 = arith.constant 0 : index
    %get3A_13 = arith.constant 0 : index
    %get3A_14 = vector.load %arg5[%get3A_12, %get3A_13] : memref<128x128xf32, #tpu.memory_space<vmem>>, vector<128x128xf32>
    %dot_general3A = arith.constant dense<0.000000e+00> : vector<2000x128xf32>
    %dot_general3A_15 = tpu.matmul %get3A_11, %get3A_14, %dot_general3A {dimension_numbers = #tpu.dot_dimension_numbers<[1], [0], [0], [1], [0, 0, 1, 1], [], []>, transpose_lhs_hint = false} : vector<2000x128xf32>, vector<128x128xf32>, vector<2000x128xf32> -> vector<2000x128xf32>
    %get3A_16 = arith.constant 0 : index
    %get3A_17 = arith.constant 0 : index
    %get3A_18 = vector.load %arg6[%get3A_16, %get3A_17] : memref<128x128xf32, #tpu.memory_space<vmem>>, vector<128x128xf32>
    %dot_general3A_19 = arith.constant dense<0.000000e+00> : vector<2000x128xf32>
    %dot_general3A_20 = tpu.matmul %div3A_8, %get3A_18, %dot_general3A_19 {dimension_numbers = #tpu.dot_dimension_numbers<[1], [0], [0], [1], [0, 0, 1, 1], [], []>, transpose_lhs_hint = false} : vector<2000x128xf32>, vector<128x128xf32>, vector<2000x128xf32> -> vector<2000x128xf32>
    %add3A_21 = arith.addf %dot_general3A_15, %dot_general3A_20 : vector<2000x128xf32>
    %get3A_22 = arith.constant 0 : index
    %get3A_23 = arith.constant 0 : index
    %get3A_24 = vector.load %arg7[%get3A_22, %get3A_23] : memref<1x128xf32, #tpu.memory_space<vmem>>, vector<1x128xf32>
    %add3A_25 = vector.broadcast %get3A_24 : vector<1x128xf32> to vector<2000x128xf32>
    %add3A_26 = arith.addf %add3A_21, %add3A_25 : vector<2000x128xf32>
    %reduce_sum3A = arith.constant dense<0.000000e+00> : vector<2000xf32>
    %reduce_sum3A_27 = vector.multi_reduction <add>, %add3A_26, %reduce_sum3A [1] : vector<2000x128xf32> to vector<2000xf32>
    %broadcast_in_dim3A = vector.shape_cast %reduce_sum3A_27 : vector<2000xf32> to vector<2000x1xf32>
    %div3A_28 = arith.constant 1.280000e+02 : f32
    %div3A_29 = vector.broadcast %div3A_28 : f32 to vector<2000x1xf32>
    %div3A_30 = arith.divf %broadcast_in_dim3A, %div3A_29 : vector<2000x1xf32>
    %sub3A = vector.broadcast %div3A_30 : vector<2000x1xf32> to vector<2000x128xf32>
    %sub3A_31 = arith.subf %add3A_26, %sub3A : vector<2000x128xf32>
    %integer_pow3A = arith.mulf %sub3A_31, %sub3A_31 : vector<2000x128xf32>
    %reduce_sum3A_32 = arith.constant dense<0.000000e+00> : vector<2000xf32>
    %reduce_sum3A_33 = vector.multi_reduction <add>, %integer_pow3A, %reduce_sum3A_32 [1] : vector<2000x128xf32> to vector<2000xf32>
    %broadcast_in_dim3A_34 = vector.shape_cast %reduce_sum3A_33 : vector<2000xf32> to vector<2000x1xf32>
    %div3A_35 = arith.constant 1.280000e+02 : f32
    %div3A_36 = vector.broadcast %div3A_35 : f32 to vector<2000x1xf32>
    %div3A_37 = arith.divf %broadcast_in_dim3A_34, %div3A_36 : vector<2000x1xf32>
    %sub3A_38 = vector.broadcast %div3A_30 : vector<2000x1xf32> to vector<2000x128xf32>
    %sub3A_39 = arith.subf %add3A_26, %sub3A_38 : vector<2000x128xf32>
    %add3A_40 = arith.constant 9.99999974E-6 : f32
    %add3A_41 = vector.broadcast %add3A_40 : f32 to vector<2000x1xf32>
    %add3A_42 = arith.addf %div3A_37, %add3A_41 : vector<2000x1xf32>
    %rsqrt3A = math.rsqrt %add3A_42 : vector<2000x1xf32>
    %mul3A = vector.broadcast %rsqrt3A : vector<2000x1xf32> to vector<2000x128xf32>
    %mul3A_43 = arith.mulf %sub3A_39, %mul3A : vector<2000x128xf32>
    %get3A_44 = arith.constant 0 : index
    %get3A_45 = arith.constant 0 : index
    %get3A_46 = vector.load %arg8[%get3A_44, %get3A_45] : memref<1x128xf32, #tpu.memory_space<vmem>>, vector<1x128xf32>
    %mul3A_47 = vector.broadcast %get3A_46 : vector<1x128xf32> to vector<2000x128xf32>
    %mul3A_48 = arith.mulf %mul3A_43, %mul3A_47 : vector<2000x128xf32>
    %get3A_49 = arith.constant 0 : index
    %get3A_50 = arith.constant 0 : index
    %get3A_51 = vector.load %arg9[%get3A_49, %get3A_50] : memref<1x128xf32, #tpu.memory_space<vmem>>, vector<1x128xf32>
    %add3A_52 = vector.broadcast %get3A_51 : vector<1x128xf32> to vector<2000x128xf32>
    %add3A_53 = arith.addf %mul3A_48, %add3A_52 : vector<2000x128xf32>
    %max3A = arith.constant 0.000000e+00 : f32
    %max3A_54 = vector.broadcast %max3A : f32 to vector<2000x128xf32>
    %max3A_55 = arith.maximumf %add3A_53, %max3A_54 : vector<2000x128xf32>
    %swap3A = arith.constant 0 : index
    %swap3A_56 = arith.constant 0 : index
    %swap3A_57 = vector.load %arg10[%swap3A, %swap3A_56] : memref<2000x128xf32, #tpu.memory_space<vmem>>, vector<2000x128xf32>
    tpu.vector_store %arg10[%swap3A, %swap3A_56], %max3A_55 {strides = array<i32>} : memref<2000x128xf32, #tpu.memory_space<vmem>>, vector<2000x128xf32>,
    return
  }
  func.func @transform_0(%arg0: i32) -> (i32, i32) {
    %c0_i32 = arith.constant 0 : i32
    %c0_i32_0 = arith.constant 0 : i32
    return %arg0, %c0_i32 : i32, i32
  }
  func.func @transform_1(%arg0: i32) -> (i32, i32) {
    %c0_i32 = arith.constant 0 : i32
    %c0_i32_0 = arith.constant 0 : i32
    return %arg0, %c0_i32 : i32, i32
  }
  func.func @transform_2(%arg0: i32) -> (i32, i32) {
    %c0_i32 = arith.constant 0 : i32
    %c0_i32_0 = arith.constant 0 : i32
    return %arg0, %c0_i32 : i32, i32
  }
  func.func @transform_3(%arg0: i32) -> (i32, i32) {
    %c0_i32 = arith.constant 0 : i32
    %c0_i32_0 = arith.constant 0 : i32
    return %arg0, %c0_i32 : i32, i32
  }
  func.func @transform_4(%arg0: i32) -> (i32, i32) {
    %c0_i32 = arith.constant 0 : i32
    %c0_i32_0 = arith.constant 0 : i32
    %c0_i32_1 = arith.constant 0 : i32
    return %c0_i32, %c0_i32_0 : i32, i32
  }
  func.func @transform_5(%arg0: i32) -> (i32, i32) {
    %c0_i32 = arith.constant 0 : i32
    %c0_i32_0 = arith.constant 0 : i32
    %c0_i32_1 = arith.constant 0 : i32
    return %c0_i32, %c0_i32_0 : i32, i32
  }
  func.func @transform_6(%arg0: i32) -> (i32, i32) {
    %c0_i32 = arith.constant 0 : i32
    %c0_i32_0 = arith.constant 0 : i32
    %c0_i32_1 = arith.constant 0 : i32
    return %c0_i32, %c0_i32_0 : i32, i32
  }
  func.func @transform_7(%arg0: i32) -> (i32, i32) {
    %c0_i32 = arith.constant 0 : i32
    %c0_i32_0 = arith.constant 0 : i32
    %c0_i32_1 = arith.constant 0 : i32
    return %c0_i32, %c0_i32_0 : i32, i32
  }
  func.func @transform_8(%arg0: i32) -> (i32, i32) {
    %c0_i32 = arith.constant 0 : i32
    %c0_i32_0 = arith.constant 0 : i32
    %c0_i32_1 = arith.constant 0 : i32
    return %c0_i32, %c0_i32_0 : i32, i32
  }
  func.func @transform_9(%arg0: i32) -> (i32, i32) {
    %c0_i32 = arith.constant 0 : i32
    %c0_i32_0 = arith.constant 0 : i32
    return %arg0, %c0_i32 : i32, i32
  }
}

module attributes {stable_mosaic.version = 14 : i64} {
  func.func @body(%arg0: i32, %arg1: memref<2000x128xf32, #tpu.memory_space<vmem>>, %arg2: memref<2000x128xf32, #tpu.memory_space<vmem>>, %arg3: memref<2000x128xf32, #tpu.memory_space<vmem>>, %arg4: memref<2000x1xf32, #tpu.memory_space<vmem>>, %arg5: memref<128x128xf32, #tpu.memory_space<vmem>>, %arg6: memref<128x128xf32, #tpu.memory_space<vmem>>, %arg7: memref<1x128xf32, #tpu.memory_space<vmem>>, %arg8: memref<1x128xf32, #tpu.memory_space<vmem>>, %arg9: memref<1x128xf32, #tpu.memory_space<vmem>>, %arg10: memref<2000x128xf32, #tpu.memory_space<vmem>>) attributes {dimension_semantics = [#tpu.dimension_semantics<arbitrary>], iteration_bounds = array<i64: 5>, scalar_prefetch = 0 : i64, scratch_operands = 0 : i64, tpu.core_type = #tpu.core_type<tc>, window_params = [{transform_indices = @transform_0, window_bounds = array<i64: 2000, 128>}, {transform_indices = @transform_1, window_bounds = array<i64: 2000, 128>}, {transform_indices = @transform_2, window_bounds = array<i64: 2000, 128>}, {transform_indices = @transform_3, window_bounds = array<i64: 2000, 1>}, {pipeline_mode = #tpu.pipeline_mode<synchronous>, transform_indices = @transform_4, window_bounds = array<i64: 128, 128>}, {pipeline_mode = #tpu.pipeline_mode<synchronous>, transform_indices = @transform_5, window_bounds = array<i64: 128, 128>}, {pipeline_mode = #tpu.pipeline_mode<synchronous>, transform_indices = @transform_6, window_bounds = array<i64: 1, 128>}, {pipeline_mode = #tpu.pipeline_mode<synchronous>, transform_indices = @transform_7, window_bounds = array<i64: 1, 128>}, {pipeline_mode = #tpu.pipeline_mode<synchronous>, transform_indices = @transform_8, window_bounds = array<i64: 1, 128>}, {transform_indices = @transform_9, window_bounds = array<i64: 2000, 128>}]} {
    %get3A = arith.constant 0 : index
    %get3A_0 = arith.constant 0 : index
    %get3A_1 = vector.load %arg2[%get3A, %get3A_0] : memref<2000x128xf32, #tpu.memory_space<vmem>>, vector<2000x128xf32>
    %get3A_2 = arith.constant 0 : index
    %get3A_3 = arith.constant 0 : index
    %get3A_4 = vector.load %arg3[%get3A_2, %get3A_3] : memref<2000x128xf32, #tpu.memory_space<vmem>>, vector<2000x128xf32>
    %add3A = arith.addf %get3A_1, %get3A_4 : vector<2000x128xf32>
    %get3A_5 = arith.constant 0 : index
    %get3A_6 = arith.constant 0 : index
    %get3A_7 = vector.load %arg4[%get3A_5, %get3A_6] : memref<2000x1xf32, #tpu.memory_space<vmem>>, vector<2000x1xf32>
    %div3A = vector.broadcast %get3A_7 : vector<2000x1xf32> to vector<2000x128xf32>
    %div3A_8 = arith.divf %add3A, %div3A : vector<2000x128xf32>
    %get3A_9 = arith.constant 0 : index
    %get3A_10 = arith.constant 0 : index
    %get3A_11 = vector.load %arg1[%get3A_9, %get3A_10] : memref<2000x128xf32, #tpu.memory_space<vmem>>, vector<2000x128xf32>
    %get3A_12 = arith.constant 0 : index
    %get3A_13 = arith.constant 0 : index
    %get3A_14 = vector.load %arg5[%get3A_12, %get3A_13] : memref<128x128xf32, #tpu.memory_space<vmem>>, vector<128x128xf32>
    %dot_general3A = arith.constant dense<0.000000e+00> : vector<2000x128xf32>
    %dot_general3A_15 = tpu.matmul %get3A_11, %get3A_14, %dot_general3A {dimension_numbers = #tpu.dot_dimension_numbers<[1], [0], [0], [1], [0, 0, 1, 1], [], []>, transpose_lhs_hint = false} : vector<2000x128xf32>, vector<128x128xf32>, vector<2000x128xf32> -> vector<2000x128xf32>
    %get3A_16 = arith.constant 0 : index
    %get3A_17 = arith.constant 0 : index
    %get3A_18 = vector.load %arg6[%get3A_16, %get3A_17] : memref<128x128xf32, #tpu.memory_space<vmem>>, vector<128x128xf32>
    %dot_general3A_19 = arith.constant dense<0.000000e+00> : vector<2000x128xf32>
    %dot_general3A_20 = tpu.matmul %div3A_8, %get3A_18, %dot_general3A_19 {dimension_numbers = #tpu.dot_dimension_numbers<[1], [0], [0], [1], [0, 0, 1, 1], [], []>, transpose_lhs_hint = false} : vector<2000x128xf32>, vector<128x128xf32>, vector<2000x128xf32> -> vector<2000x128xf32>
    %add3A_21 = arith.addf %dot_general3A_15, %dot_general3A_20 : vector<2000x128xf32>
    %get3A_22 = arith.constant 0 : index
    %get3A_23 = arith.constant 0 : index
    %get3A_24 = vector.load %arg7[%get3A_22, %get3A_23] : memref<1x128xf32, #tpu.memory_space<vmem>>, vector<1x128xf32>
    %add3A_25 = vector.broadcast %get3A_24 : vector<1x128xf32> to vector<2000x128xf32>
    %add3A_26 = arith.addf %add3A_21, %add3A_25 : vector<2000x128xf32>
    %swap3A = arith.constant 0 : index
    %swap3A_27 = arith.constant 0 : index
    %swap3A_28 = vector.load %arg10[%swap3A, %swap3A_27] : memref<2000x128xf32, #tpu.memory_space<vmem>>, vector<2000x128xf32>
    tpu.vector_store %arg10[%swap3A, %swap3A_27], %add3A_26 {strides = array<i32>} : memref<2000x128xf32, #tpu.memory_space<vmem>>, vector<2000x128xf32>,
    return
  }
  func.func @transform_0(%arg0: i32) -> (i32, i32) {
    %c0_i32 = arith.constant 0 : i32
    %c0_i32_0 = arith.constant 0 : i32
    return %arg0, %c0_i32 : i32, i32
  }
  func.func @transform_1(%arg0: i32) -> (i32, i32) {
    %c0_i32 = arith.constant 0 : i32
    %c0_i32_0 = arith.constant 0 : i32
    return %arg0, %c0_i32 : i32, i32
  }
  func.func @transform_2(%arg0: i32) -> (i32, i32) {
    %c0_i32 = arith.constant 0 : i32
    %c0_i32_0 = arith.constant 0 : i32
    return %arg0, %c0_i32 : i32, i32
  }
  func.func @transform_3(%arg0: i32) -> (i32, i32) {
    %c0_i32 = arith.constant 0 : i32
    %c0_i32_0 = arith.constant 0 : i32
    return %arg0, %c0_i32 : i32, i32
  }
  func.func @transform_4(%arg0: i32) -> (i32, i32) {
    %c0_i32 = arith.constant 0 : i32
    %c0_i32_0 = arith.constant 0 : i32
    %c0_i32_1 = arith.constant 0 : i32
    return %c0_i32, %c0_i32_0 : i32, i32
  }
  func.func @transform_5(%arg0: i32) -> (i32, i32) {
    %c0_i32 = arith.constant 0 : i32
    %c0_i32_0 = arith.constant 0 : i32
    %c0_i32_1 = arith.constant 0 : i32
    return %c0_i32, %c0_i32_0 : i32, i32
  }
  func.func @transform_6(%arg0: i32) -> (i32, i32) {
    %c0_i32 = arith.constant 0 : i32
    %c0_i32_0 = arith.constant 0 : i32
    %c0_i32_1 = arith.constant 0 : i32
    return %c0_i32, %c0_i32_0 : i32, i32
  }
  func.func @transform_7(%arg0: i32) -> (i32, i32) {
    %c0_i32 = arith.constant 0 : i32
    %c0_i32_0 = arith.constant 0 : i32
    %c0_i32_1 = arith.constant 0 : i32
    return %c0_i32, %c0_i32_0 : i32, i32
  }
  func.func @transform_8(%arg0: i32) -> (i32, i32) {
    %c0_i32 = arith.constant 0 : i32
    %c0_i32_0 = arith.constant 0 : i32
    %c0_i32_1 = arith.constant 0 : i32
    return %c0_i32, %c0_i32_0 : i32, i32
  }
  func.func @transform_9(%arg0: i32) -> (i32, i32) {
    %c0_i32 = arith.constant 0 : i32
    %c0_i32_0 = arith.constant 0 : i32
    return %arg0, %c0_i32 : i32, i32
  }
}

</mosaic_0001>

<sc_bundles>
// kernel: kernel.6.cloned.1.call-start
scs
__scs_entry_jumppad:
0x0: {  	(pc) =	sbr.rel $0x88, $3  }
0x1: {  	(tag) =	ssettag $0x0;
	lr =	simm.s32 $0x1  }
0x2: {  	[smem:$0x3F98] =	sst lr;
	_ =	strace $0xD0000000  }
0x3: {  	_ = 	snop  }
0x4: {  	_ = 	snop  }
0x5: {  	_ = 	snop  }
0x6: {  	_ = 	snop  }
0x7: {  	_ = 	snop  }
__scs_overlays_trampoline_lowered:
0x8: {  	[smem:$0x3FA7] =	sst s0  }
0x9: {  	[smem:$0x3FA8] =	sst s1  }
0xa: {  	[smem:$0x3FA9] =	sst s2  }
0xb: {  	[smem:$0x3FAA] =	sst s3  }
0xc: {  	[smem:$0x3FAB] =	sst s4  }
0xd: {  	[smem:$0x3FAC] =	sst s5  }
0xe: {  	[smem:$0x3FAD] =	sst s6  }
0xf: {  	[smem:$0x3FAE] =	sst s7  }
0x10: {  	[smem:$0x3FAF] =	sst s8  }
0x11: {  	[smem:$0x3FB0] =	sst s9;
	s0 =	simm.s32 @!p0 $0x0  }
0x12: {  	s1 =	sld [smem:$0x3F96];
	s0 =	simm.s32 @p0 $0x1  }
0x13: {  	[smem:$0x3FB1] =	sst s0;
	s0 =	simm.s32 @!p1 $0x0  }
0x14: {  	s2 =	sld [smem:$0x3F95];
	s0 =	simm.s32 @p1 $0x1  }
0x15: {  	[smem:$0x3FB2] =	sst s0;
	s0 =	simm.s32 @!p2 $0x0  }
0x16: {  	s3 =	sld [smem:$0x3FDB];
	s0 =	simm.s32 @p2 $0x1  }
0x17: {  	s4 =	simm.s32 $0x1BF5;
	[smem:$0x3FB4] =	sst s0  }
0x18: {  	s0 =	sld [smem:$0x3F97];
	_ =	swait.ge [sflag:s4], $0x0  }
0x19: {  	s7 =	sld [smem:$0x3F98]  }
0x1a: {  	s8 =	sadd.s32 $0xFFFFE003, lr  }
0x1b: {  	s9 =	sadd.s32 $0xFFFFFEF7, lr;
	s5 =	simm.s32 $0xFFFFFFFF;
	p2 =	slt.u32 s8, $0xFFFFF086  }
0x1c: {  	p1 =	slt.u32 s9, $0xF7A;
	s5 =	simm.s32 @!p2 $0x0  }
0x1d: {  	s5 =	simm.s32 @p1 $0x1;
	p0 =	seq.s32 s7, s2  }
0x1e: {  	s7 =	smul.u32 @!p0 $0xF7A, s2;
	p2 =	seq.s32 @!p0 s5, $0x0  }
0x1f: {  	s9 =	smul.u32 $0xF7A, s1;
	s8 =	simm.s32 @!p0 $0x1BF5;
	p2 =	por !p2, p0  }
0x20: {  	[sflag:s8] =	ssyncset.s32 @!p0 $0xFFFFF086;
	s6 =	sadd.s32 @!p0 s3, s7;
	s7 =	simm.s32 @!p0 $0x108  }
0x21: {  	s3 =	sadd.s32 s3, s9;
	s6 =	sadd.s32 @!p0 $0x88, s6;
	s7 =	simm.s32 @p2 $0x1082  }
0x22: {  	[simem:s7], [sflag:s8] =	dma.local @!p0 [hbm:s6], $0xF7A  }
0x23: {  	s9 =	sor.u32 $0xD0000000, s2;
	s6 =	simm.s32 $0x108;
	_ =	swait.ge @!p0 [sflag:s8], $0x0  }
0x24: {  	s3 =	sadd.s32 $0x88, s3;
	s6 =	simm.s32 @!p1 $0x1082;
	[sflag:s4] =	ssyncset.s32 $0xFFFFF086  }
0x25: {  	[simem:s6], [sflag:s4] =	dma.local [hbm:s3], $0xF7A  }
0x26: {  	[smem:$0x3F98] =	sst s1;
	(tag) =	ssettag s2;
	_ =	strace s9  }
0x27: {  	s1 =	sld [smem:$0x3FA8]  }
0x28: {  	s2 =	sld [smem:$0x3FA9]  }
0x29: {  	s4 =	sld [smem:$0x3FAB]  }
0x2a: {  	p0 =	seq.s32 s5, $0x0;
	s5 =	sld [smem:$0x3FAC]  }
0x2b: {  	s6 =	sld [smem:$0x3FAD]  }
0x2c: {  	s7 =	sld [smem:$0x3FAE]  }
0x2d: {  	s3 =	simm.s32 $0x108;
	s8 =	sld [smem:$0x3FAF]  }
0x2e: {  	s3 =	simm.s32 @!p0 $0x1082;
	s9 =	sld [smem:$0x3FB0]  }
0x2f: {  	lr =	sadd.s32 s0, s3;
	s0 =	sld [smem:$0x3FA7]  }
0x30: {  	s3 =	sld [smem:$0x3FAA]  }
0x31: {  	[smem:$0x3FB3] =	sst s10  }
0x32: {  	s10 =	sld [smem:$0x3FB1];
	_ =	sdelay $0x3  }
0x33: {  	p0 =	seq.s32 s10, $0x1;
	s10 =	sld [smem:$0x3FB3];
	_ =	sdelay $0x3  }
0x34: {  	[smem:$0x3FB3] =	sst s10  }
0x35: {  	s10 =	sld [smem:$0x3FB2];
	_ =	sdelay $0x3  }
0x36: {  	p1 =	seq.s32 s10, $0x1;
	s10 =	sld [smem:$0x3FB3];
	_ =	sdelay $0x3  }
0x37: {  	[smem:$0x3FB3] =	sst s10  }
0x38: {  	s10 =	sld [smem:$0x3FB4]  }
0x39: {  	_ = 	snop;
	(pc) =	sbr.ind lr, $3  }
0x3a: {  	_ = 	snop  }
0x3b: {  	_ = 	snop  }
0x3c: {  	p2 =	seq.s32 s10, $0x1;
	s10 =	sld [smem:$0x3FB3]  }
0x3d: {  	_ =	shalt  }
0x3e: {  	_ =	shalt  }
0x3f: {  	_ =	shalt  }
0x40: {  	_ =	shalt  }
0x41: {  	_ =	shalt  }
0x42: {  	_ =	shalt  }
0x43: {  	_ =	shalt  }
0x44: {  	_ =	shalt  }
0x45: {  	_ =	shalt  }
0x46: {  	_ =	shalt  }
0x47: {  	_ =	shalt  }
0x48: {  	_ =	shalt  }
0x49: {  	_ =	shalt  }
0x4a: {  	_ =	shalt  }
0x4b: {  	_ =	shalt  }
0x4c: {  	_ =	shalt  }
0x4d: {  	_ =	shalt  }
0x4e: {  	_ =	shalt  }
0x4f: {  	_ =	shalt  }
0x50: {  	_ =	shalt  }
0x51: {  	_ =	shalt  }
0x52: {  	_ =	shalt  }
0x53: {  	_ =	shalt  }
0x54: {  	_ =	shalt  }
0x55: {  	_ =	shalt  }
0x56: {  	_ =	shalt  }
0x57: {  	_ =	shalt  }
0x58: {  	_ =	shalt  }
0x59: {  	_ =	shalt  }
0x5a: {  	_ =	shalt  }
0x5b: {  	_ =	shalt  }
0x5c: {  	_ =	shalt  }
0x5d: {  	_ =	shalt  }
0x5e: {  	_ =	shalt  }
0x5f: {  	_ =	shalt  }
0x60: {  	_ =	shalt  }
0x61: {  	_ =	shalt  }
0x62: {  	_ =	shalt  }
0x63: {  	_ =	shalt  }
0x64: {  	_ =	shalt  }
0x65: {  	_ =	shalt  }
0x66: {  	_ =	shalt  }
0x67: {  	_ =	shalt  }
0x68: {  	_ =	shalt  }
0x69: {  	_ =	shalt  }
0x6a: {  	_ =	shalt  }
0x6b: {  	_ =	shalt  }
0x6c: {  	_ =	shalt  }
0x6d: {  	_ =	shalt  }
0x6e: {  	_ =	shalt  }
0x6f: {  	_ =	shalt  }
0x70: {  	_ =	shalt  }
0x71: {  	_ =	shalt  }
0x72: {  	_ =	shalt  }
0x73: {  	_ =	shalt  }
0x74: {  	_ =	shalt  }
0x75: {  	_ =	shalt  }
0x76: {  	_ =	shalt  }
0x77: {  	_ =	shalt  }
0x78: {  	_ =	shalt  }
0x79: {  	_ =	shalt  }
0x7a: {  	_ =	shalt  }
0x7b: {  	_ =	shalt  }
0x7c: {  	_ =	shalt  }
0x7d: {  	_ =	shalt  }
0x7e: {  	_ =	shalt  }
0x7f: {  	_ =	shalt  }
0x80: {  	_ =	shalt  }
0x81: {  	_ =	shalt  }
0x82: {  	_ =	shalt  }
0x83: {  	_ =	shalt  }
0x84: {  	_ =	shalt  }
0x85: {  	_ =	shalt  }
0x86: {  	_ =	shalt  }
0x87: {  	_ =	shalt  }
.Lfunc_end0:
.L_simem_size_0:
called_computation_lowered:
.L_overlay_start_0:
0x88: {  	s2 =	sld [smem:$0x3FD9]  }
0x89: {  	s3 =	sld [smem:$0x3FFE];
	_ =	sdelay $0x1  }
0x8a: {  	s1 =	srdreg.scid  }
0x8b: {  	s0 =	sand.u32 $0x1, s1  }
0x8c: {  	s17 =	sshll.u32 s0, $0xA;
	s2 =	sadd.s32 s3, s2  }
0x8d: {  	s2 =	sadd.s32 s2, s17  }
0x8e: {  	[smem:$0x3FBF] =	sst s2  }
0x8f: {  	_ = 	snop  }
0x90: {  	s2 =	sld [smem:$0x3FC9];
	(tm) =	ssettm $0x1  }
0x91: {  	s18 =	sld [smem:$0x3FFB];
	_ =	sdelay $0x3  }
0x92: {  	_ =	strace s18  }
0x93: {  	s3 =	sld [smem:$0x3FFC];
	_ =	sdelay $0x3  }
0x94: {  	_ =	strace s3  }
0x95: {  	s3 =	sld [smem:$0x3FFD];
	_ =	sdelay $0x3  }
0x96: {  	_ =	strace s3  }
0x97: {  	_ =	strace $0x8FFFFFFF  }
0x98: {  	s19 =	sld [smem:$0x3FDB];
	_ =	sdelay $0x1  }
0x99: {  	s4 =	simm.s32 $_scs_section_size  }
0x9a: {  	s5 =	simm.s32 $_size__tile_overlayer_lowered;
	s6 =	simm.s32 $_tile_overlayer_lowered  }
0x9b: {  	s22 =	simm.s32 $0x1BFF;
	s21 =	sshll.u32 s6, $0x1;
	s3 =	sadd.s32 s4, s19  }
0x9c: {  	s7 =	simm.s32 $0x0;
	s20 =	sshll.u32 s5, $0x1;
	s5 =	sadd.s32 s21, s3  }
0x9d: {  	[timem:s7], [sflag:s22] =	dma.local [hbm:s5], s20  }
0x9e: {  	_ =	swait.ge [sflag:s22], s20  }
0x9f: {  	s4 =	ssub.s32 $0x0, s20;
	[sflag:s22] =	ssyncset.done $0x0  }
0xa0: {  	[sflag:s22] =	ssyncadd.s32 s4;
	_ =	sdelay $0x1  }
0xa1: {  	s23 =	simm.s32 $0x1B8B  }
0xa2: {  	_ =	swait.ge [sflag:s23], $0x1  }
0xa3: {  	[sflag:s23] =	ssyncset.done $0x0  }
0xa4: {  	s25 =	simm.s32 $0x1B8E;
	s24 =	sld [smem:$0x3FFE];
	[sflag:s23] =	ssyncadd.s32 $0xFFFFFFFF  }
0xa5: {  	s26 =	simm.s32 $execute0_lowered;
	[smem:$0x3FD2] =	sst s25  }
0xa6: {  	s5 =	sshll.u32 s26, $0x1;
	_ =	strace $0x80000046;
	[dreg:$0x1] =	wrdreg $0xFFFFFFFF  }
0xa7: {  	s28 =	simm.s32 $_size_execute0_lowered;
	s3 =	sadd.s32 s3, s5;
	[dreg:$0x0] =	wrdreg $0x0  }
0xa8: {  	s5 =	sshll.u32 s28, $0x1;
	[dreg:$0x2] =	wrdreg s3  }
0xa9: {  	[dreg:$0x3] =	wrdreg s5  }
0xaa: {  	[dreg:$0x4] =	wrdreg $0xC0  }
0xab: {  	_ =	task [dreg:s7], $0x5FFFF  }
0xac: {  	[dreg:$0x1] =	wrdreg $0xFFFFFFFF  }
0xad: {  	[dreg:$0x0] =	wrdreg $0x60  }
0xae: {  	[dreg:$0x2] =	wrdreg s2  }
0xaf: {  	[dreg:$0x3] =	wrdreg s24  }
0xb0: {  	[dreg:$0x4] =	wrdreg $0xC4000  }
0xb1: {  	[dreg:$0x5] =	wrdreg $0x9  }
0xb2: {  	_ =	task.clear_ibuf [dreg:s7], $0x6FFFF;
	_ =	strace $0x90000046  }
0xb3: {  	s29 =	simm.s32 $0x9;
	_ =	strace $0x80000048  }
0xb4: {  	_ =	swait.ge [sflag:s29], $0x1  }
0xb5: {  	[sflag:s29] =	ssyncadd.s32 $0xFFFFFFFF  }
0xb6: {  	_ =	strace $0x90000048  }
0xb7: {  	_ =	sfence  }
0xb8: {  	s30 =	sld [smem:$0x0];
	_ =	sdelay $0x2  }
0xb9: {  	s31 =	sshll.u32 s1, $0xD;
	s1 =	sshrl.u32 s1, $0x2  }
0xba: {  	s3 =	sand.u32 $0x4000, s31;
	s1 =	sadd.s32 s1, s30  }
0xbb: {  	s0 =	sor.u32 s3, s0;
	s1 =	sshll.u32 s1, $0x11  }
0xbc: {  	s0 =	sor.u32 s1, s0  }
0xbd: {  	s0 =	sadd.s32 $0x8F2B, s0  }
0xbe: {  	[sflag:s0] =	ssyncadd.remote.s32 $0x1  }
0xbf: {  	_ =	sfence.sel $0xFFFF  }
0xc0: {  	[dreg:$0x0] =	wrdreg $0xFFFFFFFF;
	(pc) =	sbr.abs _section_cstart, $3  }
0xc1: {  	[dreg:$0x1] =	wrdreg $0xFFFFFFFF  }
0xc2: {  	_ =	task.clear_ibuf [dreg:s7], $0x2FFFF;
	_ =	strace $0x9FFFFFFF  }
0xc3: {  	(tm) =	ssettm $0x7FFFFFFF  }
tec
execute0_lowered:
.L_overlay_start_1:
0x0: {  	(tag) =	ssettag $0x1  }
0x1: {  	s1 =	rddreg [dreg:$0x0]  }
0x2: {  	s0 =	rddreg [dreg:$0x1]  }
0x3: {  	s2 =	rddreg [dreg:$0x2];
	s4 =	simm.s32 $0x0  }
0x4: {  	s3 =	srdreg.scid;
	s12 =	stileid.u32;
	s18 =	simm.s32 $0xD  }
0x5: {  	s28 =	simm.s32 $0x1;
	s29 =	simm.s32 $0xA;
	s30 =	simm.s32 $0x2  }
0x6: {  	s31 =	simm.s32 $0xB;
	s14 =	simm.s32 $0x6;
	s15 =	simm.s32 $0x9  }
0x7: {  	s19 =	simm.s32 $0x0;
	[smem:$0x7FF] =	sst s4;
	s5 =	sadd.s32 $0x2E00, s0  }
0x8: {  	s3 =	sand.u32 $0x1, s3;
	s6 =	sshll.u32 s12, $0x1;
	s9 =	smul.u32 $0x4F000, s12  }
0x9: {  	s11 =	sadd.s32 $0x17200, s0;
	s20 =	sshll.u32 s12, $0x6;
	s26 =	smul.u32 $0x2780, s12  }
0xa: {  	s12 =	simm.s32 $0x5;
	_ =	strace $0x80000047;
	s8 =	ssub.s32 $0x2, s3  }
0xb: {  	s7 =	sor.u32 s3, s6;
	s6 =	sadd.s32 $0xD000, s0;
	[dreg:$0x4] =	wrdreg s11  }
0xc: {  	s16 =	sor.u32 $0x1C0D, s20;
	p0 =	seq.s32 s3, $0x1;
	s3 =	simm.s32 $0x41200  }
0xd: {  	s20 =	simm.s32 $0x200;
	s10 =	sshrl.u32 s8, $0x1;
	s7 =	smul.u32 $0x2880, s7  }
0xe: {  	s9 =	sshrl.u32 s9, $0x2;
	s3 =	simm.s32 @!p0 $0x19A00;
	[dreg:$0x5] =	wrdreg s16  }
0xf: {  	s8 =	ssub.s32 s8, s10;
	s9 =	sadd.s32 s9, s2;
	s0 =	sadd.s32 s3, s0  }
0x10: {  	s3 =	simm.s32 $0x3;
	s21 =	sshrl.u32 s7, $0x3;
	s8 =	smax.u32 s8, $0x1  }
0x11: {  	s0 =	sadd.s32 s0, s26;
	s17 =	sshrl.u32 s9, $0x3;
	[dreg:$0xc] =	wrdreg s8  }
0x12: {  	s26 =	simm.s32 $0x8400;
	s22 =	sadd.s32 s5, s21;
	[dreg:$0xd] =	wrdreg s0  }
0x13: {  	s23 =	sadd.s32 $0x10, s21;
	s13 =	sadd.s32 s6, s21;
	[dreg:$0xe] =	wrdreg s17  }
0x14: {  	s25 =	sadd.s32 $0x20, s21;
	s21 =	simm.s32 $0x80;
	[dreg:$0x6] =	wrdreg s22  }
0x15: {  	s0 =	simm.s32 $0x280;
	[dreg:$0x7] =	wrdreg s13;
	s24 =	sadd.s32 s5, s23  }
0x16: {  	s8 =	simm.s32 $0xC;
	s10 =	sadd.s32 s6, s23;
	[dreg:$0x8] =	wrdreg s24  }
0x17: {  	s11 =	sadd.s32 s5, s25;
	s22 =	simm.s32 $0x400;
	[dreg:$0x9] =	wrdreg s10  }
0x18: {  	s23 =	simm.s32 $0x4400;
	s13 =	simm.s32 $0x8;
	[dreg:$0xa] =	wrdreg s11  }
0x19: {  	s10 =	sadd.s32 s6, s25;
	s24 =	simm.s32 $0x100;
	s25 =	simm.s32 $0x300  }
0x1a: {  	s11 =	simm.s32 $0x7;
	[dreg:$0xb] =	wrdreg s10;
	s10 =	simm.s32 $0x4  }
.LBB2_1:
0x1b: {  	[dreg:$0xf] =	wrdreg s19  }
0x1c: {  	s9 =	rddreg [dreg:$0x4]  }
0x1d: {  	[spmem:s17], [sflag:s16] =	dma.local [hbm:s9], $0x2780  }
0x1e: {  	_ =	swait.ge [sflag:s18], $0x2780  }
0x1f: {  	[sflag:s18] =	ssyncset.done $0x0  }
0x20: {  	s19 =	rddreg [dreg:$0x6];
	[sflag:s18] =	ssyncadd.s32 $0xFFFFD880  }
0x21: {  	[tilespmem:s4], [sflag:$0xD] =	stream.linear.gather [hbm4b:s19+s4], $0x80, $0x38;
	v63 =	vld [tilespmem:$0x0]  }
0x22: {  	_ =	swait.ge [sflag:s18], $0x80  }
0x23: {  	[sflag:s18] =	ssyncset.done $0x0  }
0x24: {  	s16 =	rddreg [dreg:$0x7];
	[sflag:s18] =	ssyncadd.s32 $0xFFFFFF80  }
0x25: {  	[tilespmem:s20], [sflag:$0xA] =	stream.linear.gather [hbm4b:s16+s4], $0x80, $0x38;
	v63 =	vld [tilespmem:$0x0]  }
0x26: {  	_ = 	snop  }
0x27: {  	[tilespmem:s22], [sflag:$0x1] =	stream.indirect.gather [hbm4b:s1+s21], $0x80, s4, s21, $0xb8;
	v63 =	vld [tilespmem:$0x0]  }
0x28: {  	s17 =	rddreg [dreg:$0x8]  }
0x29: {  	[tilespmem:s21], [sflag:$0xD] =	stream.linear.gather [hbm4b:s17+s4], $0x80, $0x38;
	v63 =	vld [tilespmem:$0x0]  }
0x2a: {  	_ =	swait.ge [sflag:s18], $0x80  }
0x2b: {  	[sflag:s18] =	ssyncset.done $0x0  }
0x2c: {  	s19 =	rddreg [dreg:$0x9];
	[sflag:s18] =	ssyncadd.s32 $0xFFFFFF80  }
0x2d: {  	[tilespmem:s0], [sflag:$0xB] =	stream.linear.gather [hbm4b:s19+s4], $0x80, $0x38;
	v63 =	vld [tilespmem:$0x0]  }
0x2e: {  	_ = 	snop  }
0x2f: {  	[tilespmem:s23], [sflag:$0x2] =	stream.indirect.gather [hbm4b:s1+s21], $0x80, s21, s21, $0xb8;
	v63 =	vld [tilespmem:$0x0]  }
0x30: {  	s16 =	rddreg [dreg:$0xa]  }
0x31: {  	[tilespmem:s24], [sflag:$0xD] =	stream.linear.gather [hbm4b:s16+s4], $0x80, $0x38;
	v63 =	vld [tilespmem:$0x0]  }
0x32: {  	_ =	swait.ge [sflag:s18], $0x80  }
0x33: {  	[sflag:s18] =	ssyncset.done $0x0  }
0x34: {  	s17 =	rddreg [dreg:$0xb];
	[sflag:s18] =	ssyncadd.s32 $0xFFFFFF80  }
0x35: {  	[tilespmem:s25], [sflag:$0xC] =	stream.linear.gather [hbm4b:s17+s4], $0x80, $0x38;
	v63 =	vld [tilespmem:$0x0]  }
0x36: {  	_ = 	snop  }
0x37: {  	[tilespmem:s26], [sflag:$0x3] =	stream.indirect.gather [hbm4b:s1+s21], $0x80, s24, s21, $0xb8;
	v63 =	vld [tilespmem:$0x0]  }
0x38: {  	[bflag:$0x0] =	sbarrier.arrive $0xFFFF  }
0x39: {  	_ =	swait.ge [sflag:s28], $0x4000  }
0x3a: {  	[sflag:s28] =	ssyncset.done $0x0  }
0x3b: {  	p0 =	por $0x0, $0x0;
	s9 =	simm.s32 $0x180;
	[sflag:s28] =	ssyncadd.s32 $0xFFFFC000  }
0x3c: {  	s9 =	simm.s32 @p0 $0x0;
	_ =	swait.ge [sflag:s29], $0x80  }
0x3d: {  	s9 =	sadd.s32 s7, s9;
	[sflag:s29] =	ssyncset.done $0x0  }
0x3e: {  	s9 =	sshrl.u32 s9, $0x3;
	[sflag:s29] =	ssyncadd.s32 $0xFFFFFF80  }
0x3f: {  	[spmem:s2] =	stream.indirect.scatter.add.f32 [tilespmem:s22], [sflag:$0x4], $0x80, s20, s21, $0xb8;
	v63 =	vld [tilespmem:$0x0]  }
0x40: {  	s18 =	sadd.s32 s5, s9  }
0x41: {  	[tilespmem:s4], [sflag:$0x7] =	stream.linear.gather [hbm4b:s18+s4], $0x80, $0x38;
	v63 =	vld [tilespmem:$0x0]  }
0x42: {  	_ =	swait.ge [sflag:s30], $0x4000  }
0x43: {  	[sflag:s30] =	ssyncset.done $0x0  }
0x44: {  	s17 =	simm.s32 $0x200;
	[sflag:s30] =	ssyncadd.s32 $0xFFFFC000  }
0x45: {  	s17 =	simm.s32 @p0 $0x80;
	_ =	swait.ge [sflag:s31], $0x80  }
0x46: {  	s17 =	sadd.s32 s7, s17;
	[sflag:s31] =	ssyncset.done $0x0  }
0x47: {  	s17 =	sshrl.u32 s17, $0x3;
	[sflag:s31] =	ssyncadd.s32 $0xFFFFFF80  }
0x48: {  	[spmem:s2] =	stream.indirect.scatter.add.f32 [tilespmem:s23], [sflag:$0x5], $0x80, s0, s21, $0xb8;
	v63 =	vld [tilespmem:$0x0]  }
0x49: {  	s19 =	sadd.s32 s5, s17  }
0x4a: {  	[tilespmem:s21], [sflag:$0x8] =	stream.linear.gather [hbm4b:s19+s4], $0x80, $0x38;
	v63 =	vld [tilespmem:$0x0]  }
0x4b: {  	_ =	swait.ge [sflag:s3], $0x4000  }
0x4c: {  	[sflag:s3] =	ssyncset.done $0x0  }
0x4d: {  	s18 =	simm.s32 $0x280;
	[sflag:s3] =	ssyncadd.s32 $0xFFFFC000  }
0x4e: {  	s18 =	simm.s32 @p0 $0x100;
	_ =	swait.ge [sflag:s8], $0x80  }
0x4f: {  	s18 =	sadd.s32 s7, s18;
	[sflag:s8] =	ssyncset.done $0x0  }
0x50: {  	s18 =	sshrl.u32 s18, $0x3;
	[sflag:s8] =	ssyncadd.s32 $0xFFFFFF80  }
0x51: {  	[spmem:s2] =	stream.indirect.scatter.add.f32 [tilespmem:s26], [sflag:$0x6], $0x80, s25, s21, $0xb8;
	v63 =	vld [tilespmem:$0x0]  }
0x52: {  	s16 =	sadd.s32 s5, s18  }
0x53: {  	[tilespmem:s24], [sflag:$0x9] =	stream.linear.gather [hbm4b:s16+s4], $0x80, $0x38;
	v63 =	vld [tilespmem:$0x0]  }
0x54: {  	_ =	swait.ge [sflag:s10], $0x4000  }
0x55: {  	[sflag:s10] =	ssyncset.done $0x0  }
0x56: {  	s9 =	sadd.s32 s6, s9;
	[sflag:s10] =	ssyncadd.s32 $0xFFFFC000  }
0x57: {  	[tilespmem:s20], [sflag:$0xA] =	stream.linear.gather [hbm4b:s9+s4], $0x80, $0x38;
	v63 =	vld [tilespmem:$0x0]  }
0x58: {  	_ =	swait.ge [sflag:s11], $0x80  }
0x59: {  	[sflag:s11] =	ssyncset.done $0x0  }
0x5a: {  	[sflag:s11] =	ssyncadd.s32 $0xFFFFFF80  }
0x5b: {  	[tilespmem:s22], [sflag:$0x1] =	stream.indirect.gather [hbm4b:s1+s21], $0x80, s4, s21, $0xb8;
	v63 =	vld [tilespmem:$0x0]  }
0x5c: {  	_ =	swait.ge [sflag:s12], $0x4000  }
0x5d: {  	[sflag:s12] =	ssyncset.done $0x0  }
0x5e: {  	s17 =	sadd.s32 s6, s17;
	[sflag:s12] =	ssyncadd.s32 $0xFFFFC000  }
0x5f: {  	[tilespmem:s0], [sflag:$0xB] =	stream.linear.gather [hbm4b:s17+s4], $0x80, $0x38;
	v63 =	vld [tilespmem:$0x0]  }
0x60: {  	_ =	swait.ge [sflag:s13], $0x80  }
0x61: {  	[sflag:s13] =	ssyncset.done $0x0  }
0x62: {  	[sflag:s13] =	ssyncadd.s32 $0xFFFFFF80  }
0x63: {  	[tilespmem:s23], [sflag:$0x2] =	stream.indirect.gather [hbm4b:s1+s21], $0x80, s21, s21, $0xb8;
	v63 =	vld [tilespmem:$0x0]  }
0x64: {  	_ =	swait.ge [sflag:s14], $0x4000  }
0x65: {  	[sflag:s14] =	ssyncset.done $0x0  }
0x66: {  	s19 =	sadd.s32 s6, s18;
	[sflag:s14] =	ssyncadd.s32 $0xFFFFC000  }
0x67: {  	[tilespmem:s25], [sflag:$0xC] =	stream.linear.gather [hbm4b:s19+s4], $0x80, $0x38;
	v63 =	vld [tilespmem:$0x0]  }
0x68: {  	_ =	swait.ge [sflag:s15], $0x80  }
0x69: {  	s17 =	simm.s32 $0x400;
	[sflag:s15] =	ssyncset.done $0x0  }
.LBB2_2:
0x6a: {  	p0 =	sne.s32 s17, $0x2980  }
0x6b: {  	[sflag:s15] =	ssyncadd.s32 $0xFFFFFF80;
	s9 =	smov.u32 s17;
	s17 =	sadd.s32 $0x180, s17  }
0x6c: {  	[tilespmem:s26], [sflag:$0x3] =	stream.indirect.gather [hbm4b:s1+s21], $0x80, s24, s21, $0xb8;
	v63 =	vld [tilespmem:$0x0]  }
0x6d: {  	_ =	swait.ge [sflag:s28], $0x4000  }
0x6e: {  	s18 =	sadd.s32 $0xFFFFFF80, s9;
	[sflag:s28] =	ssyncset.done $0x0  }
0x6f: {  	p1 =	seq.s32 s9, $0x2980;
	s19 =	sadd.s32 $0xFFFFFF00, s9;
	[sflag:s28] =	ssyncadd.s32 $0xFFFFC000  }
0x70: {  	s19 =	simm.s32 @p1 $0x0;
	s18 =	simm.s32 @p1 $0x80;
	_ =	swait.ge [sflag:s29], $0x80  }
0x71: {  	s19 =	sadd.s32 s7, s19;
	s18 =	sadd.s32 s7, s18;
	[sflag:s29] =	ssyncset.done $0x0  }
0x72: {  	s9 =	simm.s32 @p1 $0x100;
	s19 =	sshrl.u32 s19, $0x3;
	[sflag:s29] =	ssyncadd.s32 $0xFFFFFF80  }
0x73: {  	[spmem:s2] =	stream.indirect.scatter.add.f32 [tilespmem:s22], [sflag:$0x4], $0x80, s20, s21, $0xb8;
	v63 =	vld [tilespmem:$0x0]  }
0x74: {  	s9 =	sadd.s32 s7, s9;
	s16 =	sadd.s32 s5, s19  }
0x75: {  	[tilespmem:s4], [sflag:$0x7] =	stream.linear.gather [hbm4b:s16+s4], $0x80, $0x38;
	v63 =	vld [tilespmem:$0x0]  }
0x76: {  	s9 =	sshrl.u32 s9, $0x3;
	_ =	swait.ge [sflag:s30], $0x4000  }
0x77: {  	[sflag:s30] =	ssyncset.done $0x0  }
0x78: {  	[sflag:s30] =	ssyncadd.s32 $0xFFFFC000  }
0x79: {  	_ =	swait.ge [sflag:s31], $0x80  }
0x7a: {  	s16 =	sshrl.u32 s18, $0x3;
	[sflag:s31] =	ssyncset.done $0x0  }
0x7b: {  	s18 =	sadd.s32 s5, s16;
	[sflag:s31] =	ssyncadd.s32 $0xFFFFFF80  }
0x7c: {  	[spmem:s2] =	stream.indirect.scatter.add.f32 [tilespmem:s23], [sflag:$0x5], $0x80, s0, s21, $0xb8;
	v63 =	vld [tilespmem:$0x0]  }
0x7d: {  	_ = 	snop  }
0x7e: {  	[tilespmem:s21], [sflag:$0x8] =	stream.linear.gather [hbm4b:s18+s4], $0x80, $0x38;
	v63 =	vld [tilespmem:$0x0]  }
0x7f: {  	_ =	swait.ge [sflag:s3], $0x4000  }
0x80: {  	[sflag:s3] =	ssyncset.done $0x0  }
0x81: {  	[sflag:s3] =	ssyncadd.s32 $0xFFFFC000  }
0x82: {  	_ =	swait.ge [sflag:s8], $0x80  }
0x83: {  	[sflag:s8] =	ssyncset.done $0x0  }
0x84: {  	s18 =	sadd.s32 s5, s9;
	[sflag:s8] =	ssyncadd.s32 $0xFFFFFF80  }
0x85: {  	[spmem:s2] =	stream.indirect.scatter.add.f32 [tilespmem:s26], [sflag:$0x6], $0x80, s25, s21, $0xb8;
	v63 =	vld [tilespmem:$0x0]  }
0x86: {  	_ = 	snop  }
0x87: {  	[tilespmem:s24], [sflag:$0x9] =	stream.linear.gather [hbm4b:s18+s4], $0x80, $0x38;
	v63 =	vld [tilespmem:$0x0]  }
0x88: {  	_ =	swait.ge [sflag:s10], $0x4000  }
0x89: {  	s18 =	sadd.s32 s6, s19;
	[sflag:s10] =	ssyncset.done $0x0  }
0x8a: {  	[sflag:s10] =	ssyncadd.s32 $0xFFFFC000  }
0x8b: {  	[tilespmem:s20], [sflag:$0xA] =	stream.linear.gather [hbm4b:s18+s4], $0x80, $0x38;
	v63 =	vld [tilespmem:$0x0]  }
0x8c: {  	_ =	swait.ge [sflag:s11], $0x80  }
0x8d: {  	[sflag:s11] =	ssyncset.done $0x0  }
0x8e: {  	[sflag:s11] =	ssyncadd.s32 $0xFFFFFF80  }
0x8f: {  	[tilespmem:s22], [sflag:$0x1] =	stream.indirect.gather [hbm4b:s1+s21], $0x80, s4, s21, $0xb8;
	v63 =	vld [tilespmem:$0x0]  }
0x90: {  	_ =	swait.ge [sflag:s12], $0x4000  }
0x91: {  	s16 =	sadd.s32 s6, s16;
	[sflag:s12] =	ssyncset.done $0x0  }
0x92: {  	[sflag:s12] =	ssyncadd.s32 $0xFFFFC000  }
0x93: {  	[tilespmem:s0], [sflag:$0xB] =	stream.linear.gather [hbm4b:s16+s4], $0x80, $0x38;
	v63 =	vld [tilespmem:$0x0]  }
0x94: {  	_ =	swait.ge [sflag:s13], $0x80  }
0x95: {  	[sflag:s13] =	ssyncset.done $0x0  }
0x96: {  	[sflag:s13] =	ssyncadd.s32 $0xFFFFFF80  }
0x97: {  	[tilespmem:s23], [sflag:$0x2] =	stream.indirect.gather [hbm4b:s1+s21], $0x80, s21, s21, $0xb8;
	v63 =	vld [tilespmem:$0x0]  }
0x98: {  	_ =	swait.ge [sflag:s14], $0x4000  }
.Ltmp0:
0x99: {  	s9 =	sadd.s32 s6, s9;
	[sflag:s14] =	ssyncset.done $0x0;
	(pc) =	sbr.rel @p0 .LBB2_2-.Ltmp0, $4  }
0x9a: {  	[sflag:s14] =	ssyncadd.s32 $0xFFFFC000  }
0x9b: {  	[tilespmem:s25], [sflag:$0xC] =	stream.linear.gather [hbm4b:s9+s4], $0x80, $0x38;
	v63 =	vld [tilespmem:$0x0]  }
0x9c: {  	_ =	swait.ge [sflag:s15], $0x80  }
0x9d: {  	[sflag:s15] =	ssyncset.done $0x0  }
0x9e: {  	[sflag:s15] =	ssyncadd.s32 $0xFFFFFF80  }
0x9f: {  	[tilespmem:s26], [sflag:$0x3] =	stream.indirect.gather [hbm4b:s1+s21], $0x80, s24, s21, $0xb8;
	v63 =	vld [tilespmem:$0x0]  }
0xa0: {  	_ =	swait.ge [sflag:s28], $0x4000  }
0xa1: {  	[sflag:s28] =	ssyncset.done $0x0  }
0xa2: {  	[sflag:s28] =	ssyncadd.s32 $0xFFFFC000  }
0xa3: {  	_ =	swait.ge [sflag:s29], $0x80  }
0xa4: {  	[sflag:s29] =	ssyncset.done $0x0  }
0xa5: {  	[sflag:s29] =	ssyncadd.s32 $0xFFFFFF80  }
0xa6: {  	_ =	swait.ge [sflag:s30], $0x4000  }
0xa7: {  	[sflag:s30] =	ssyncset.done $0x0  }
0xa8: {  	[sflag:s30] =	ssyncadd.s32 $0xFFFFC000  }
0xa9: {  	_ =	swait.ge [sflag:s31], $0x80  }
0xaa: {  	[sflag:s31] =	ssyncset.done $0x0  }
0xab: {  	[sflag:s31] =	ssyncadd.s32 $0xFFFFFF80  }
0xac: {  	_ =	swait.ge [sflag:s3], $0x4000  }
0xad: {  	[sflag:s3] =	ssyncset.done $0x0  }
0xae: {  	[sflag:s3] =	ssyncadd.s32 $0xFFFFC000  }
0xaf: {  	_ =	swait.ge [sflag:s8], $0x80  }
0xb0: {  	[sflag:s8] =	ssyncset.done $0x0  }
0xb1: {  	[sflag:s8] =	ssyncadd.s32 $0xFFFFFF80  }
0xb2: {  	[bflag:$0x0] =	sbarrier.arrive $0xFFFF  }
0xb3: {  	s16 =	rddreg [dreg:$0x5]  }
0xb4: {  	s9 =	rddreg [dreg:$0xd]  }
0xb5: {  	s18 =	simm.s32 $0xD;
	s17 =	rddreg [dreg:$0xe]  }
0xb6: {  	[hbm:s9], [sflag:s16] =	dma.local [spmem:s17], $0x2780  }
0xb7: {  	_ =	swait.ge [sflag:s18], $0x2780  }
0xb8: {  	s19 =	rddreg [dreg:$0xf]  }
0xb9: {  	s9 =	rddreg [dreg:$0xc];
	s19 =	sadd.s32 $0x1, s19  }
0xba: {  	p0 =	sne.s32 s19, s9  }
.Ltmp1:
0xbb: {  	_ = 	snop;
	(pc) =	sbr.rel @p0 .LBB2_1-.Ltmp1, $3  }
0xbc: {  	_ =	sdelay $0x1  }
0xbd: {  	[sflag:s18] =	ssyncset.done $0x0  }
0xbe: {  	[sflag:s18] =	ssyncadd.s32 $0xFFFFD880  }
0xbf: {  	_ =	sfence.sel $0x180000  }
0xc0: {  	[bflag:$0x0] =	sbarrier.arrive $0xFFFF  }
0xc1: {  	_ =	strace $0x90000047  }
0xc2: {  	s0 =	stileid.u32;
	[bflag:$0x2] =	sbarrier.arrive $0xFFFF  }
0xc3: {  	p0 =	sne.s32 s0, $0x0;
	s0 =	rddreg [dreg:$0x3]  }
0xc4: {  	s0 =	sadd.s32 @!p0 $0x100000, s0  }
0xc5: {  	[sflag:s0] =	ssyncadd.tile.s32 @!p0 $0x1;
	_ =	shalt  }
.Lfunc_end2:
_tile_overlayer_lowered:
.L_overlay_start_2:
0xc6: {  	(tag) =	ssettag $0x2  }
0xc7: {  	s0 =	rddreg [dreg:$0x0];
	s2 =	stileid.u32  }
0xc8: {  	s1 =	rddreg [dreg:$0x1];
	p0 =	sne.s32 s2, $0x0  }
0xc9: {  	s3 =	rddreg [dreg:$0x2];
	[bflag:$0x3] =	sbarrier.arrive $0xFFFF;
	s2 =	simm.s32 @!p0 $0x1C0D  }
0xca: {  	[timem:s3], [sflag:s2] =	dma.local @!p0 [hbm:s0], s1  }
0xcb: {  	s0 =	simm.s32 @!p0 $0xD  }
0xcc: {  	_ =	swait.ge @!p0 [sflag:s0], s1  }
0xcd: {  	s1 =	ssub.s32 @!p0 $0x0, s1;
	[sflag:s0] =	ssyncset.done @!p0 $0x0  }
0xce: {  	[sflag:s0] =	ssyncadd.s32 @!p0 s1  }
0xcf: {  	[bflag:$0x3] =	sbarrier.arrive $0xFFFF  }
0xd0: {  	_ =	shalt  }

// kernel: kernel.9.cloned.1.call-start
scs
__scs_entry_jumppad:
0x0: {  	(pc) =	sbr.rel $0x88, $3  }
0x1: {  	(tag) =	ssettag $0x0;
	lr =	simm.s32 $0x1  }
0x2: {  	[smem:$0x3F98] =	sst lr;
	_ =	strace $0xD0000000  }
0x3: {  	_ = 	snop  }
0x4: {  	_ = 	snop  }
0x5: {  	_ = 	snop  }
0x6: {  	_ = 	snop  }
0x7: {  	_ = 	snop  }
__scs_overlays_trampoline_lowered:
0x8: {  	[smem:$0x3FA7] =	sst s0  }
0x9: {  	[smem:$0x3FA8] =	sst s1  }
0xa: {  	[smem:$0x3FA9] =	sst s2  }
0xb: {  	[smem:$0x3FAA] =	sst s3  }
0xc: {  	[smem:$0x3FAB] =	sst s4  }
0xd: {  	[smem:$0x3FAC] =	sst s5  }
0xe: {  	[smem:$0x3FAD] =	sst s6  }
0xf: {  	[smem:$0x3FAE] =	sst s7  }
0x10: {  	[smem:$0x3FAF] =	sst s8  }
0x11: {  	[smem:$0x3FB0] =	sst s9;
	s0 =	simm.s32 @!p0 $0x0  }
0x12: {  	s1 =	sld [smem:$0x3F96];
	s0 =	simm.s32 @p0 $0x1  }
0x13: {  	[smem:$0x3FB1] =	sst s0;
	s0 =	simm.s32 @!p1 $0x0  }
0x14: {  	s2 =	sld [smem:$0x3F95];
	s0 =	simm.s32 @p1 $0x1  }
0x15: {  	[smem:$0x3FB2] =	sst s0;
	s0 =	simm.s32 @!p2 $0x0  }
0x16: {  	s3 =	sld [smem:$0x3FDB];
	s0 =	simm.s32 @p2 $0x1  }
0x17: {  	s4 =	simm.s32 $0x1BF5;
	[smem:$0x3FB4] =	sst s0  }
0x18: {  	s0 =	sld [smem:$0x3F97];
	_ =	swait.ge [sflag:s4], $0x0  }
0x19: {  	s7 =	sld [smem:$0x3F98]  }
0x1a: {  	s8 =	sadd.s32 $0xFFFFE003, lr  }
0x1b: {  	s9 =	sadd.s32 $0xFFFFFEF7, lr;
	s5 =	simm.s32 $0xFFFFFFFF;
	p2 =	slt.u32 s8, $0xFFFFF086  }
0x1c: {  	p1 =	slt.u32 s9, $0xF7A;
	s5 =	simm.s32 @!p2 $0x0  }
0x1d: {  	s5 =	simm.s32 @p1 $0x1;
	p0 =	seq.s32 s7, s2  }
0x1e: {  	s7 =	smul.u32 @!p0 $0xF7A, s2;
	p2 =	seq.s32 @!p0 s5, $0x0  }
0x1f: {  	s9 =	smul.u32 $0xF7A, s1;
	s8 =	simm.s32 @!p0 $0x1BF5;
	p2 =	por !p2, p0  }
0x20: {  	[sflag:s8] =	ssyncset.s32 @!p0 $0xFFFFF086;
	s6 =	sadd.s32 @!p0 s3, s7;
	s7 =	simm.s32 @!p0 $0x108  }
0x21: {  	s3 =	sadd.s32 s3, s9;
	s6 =	sadd.s32 @!p0 $0x88, s6;
	s7 =	simm.s32 @p2 $0x1082  }
0x22: {  	[simem:s7], [sflag:s8] =	dma.local @!p0 [hbm:s6], $0xF7A  }
0x23: {  	s9 =	sor.u32 $0xD0000000, s2;
	s6 =	simm.s32 $0x108;
	_ =	swait.ge @!p0 [sflag:s8], $0x0  }
0x24: {  	s3 =	sadd.s32 $0x88, s3;
	s6 =	simm.s32 @!p1 $0x1082;
	[sflag:s4] =	ssyncset.s32 $0xFFFFF086  }
0x25: {  	[simem:s6], [sflag:s4] =	dma.local [hbm:s3], $0xF7A  }
0x26: {  	[smem:$0x3F98] =	sst s1;
	(tag) =	ssettag s2;
	_ =	strace s9  }
0x27: {  	s1 =	sld [smem:$0x3FA8]  }
0x28: {  	s2 =	sld [smem:$0x3FA9]  }
0x29: {  	s4 =	sld [smem:$0x3FAB]  }
0x2a: {  	p0 =	seq.s32 s5, $0x0;
	s5 =	sld [smem:$0x3FAC]  }
0x2b: {  	s6 =	sld [smem:$0x3FAD]  }
0x2c: {  	s7 =	sld [smem:$0x3FAE]  }
0x2d: {  	s3 =	simm.s32 $0x108;
	s8 =	sld [smem:$0x3FAF]  }
0x2e: {  	s3 =	simm.s32 @!p0 $0x1082;
	s9 =	sld [smem:$0x3FB0]  }
0x2f: {  	lr =	sadd.s32 s0, s3;
	s0 =	sld [smem:$0x3FA7]  }
0x30: {  	s3 =	sld [smem:$0x3FAA]  }
0x31: {  	[smem:$0x3FB3] =	sst s10  }
0x32: {  	s10 =	sld [smem:$0x3FB1];
	_ =	sdelay $0x3  }
0x33: {  	p0 =	seq.s32 s10, $0x1;
	s10 =	sld [smem:$0x3FB3];
	_ =	sdelay $0x3  }
0x34: {  	[smem:$0x3FB3] =	sst s10  }
0x35: {  	s10 =	sld [smem:$0x3FB2];
	_ =	sdelay $0x3  }
0x36: {  	p1 =	seq.s32 s10, $0x1;
	s10 =	sld [smem:$0x3FB3];
	_ =	sdelay $0x3  }
0x37: {  	[smem:$0x3FB3] =	sst s10  }
0x38: {  	s10 =	sld [smem:$0x3FB4]  }
0x39: {  	_ = 	snop;
	(pc) =	sbr.ind lr, $3  }
0x3a: {  	_ = 	snop  }
0x3b: {  	_ = 	snop  }
0x3c: {  	p2 =	seq.s32 s10, $0x1;
	s10 =	sld [smem:$0x3FB3]  }
0x3d: {  	_ =	shalt  }
0x3e: {  	_ =	shalt  }
0x3f: {  	_ =	shalt  }
0x40: {  	_ =	shalt  }
0x41: {  	_ =	shalt  }
0x42: {  	_ =	shalt  }
0x43: {  	_ =	shalt  }
0x44: {  	_ =	shalt  }
0x45: {  	_ =	shalt  }
0x46: {  	_ =	shalt  }
0x47: {  	_ =	shalt  }
0x48: {  	_ =	shalt  }
0x49: {  	_ =	shalt  }
0x4a: {  	_ =	shalt  }
0x4b: {  	_ =	shalt  }
0x4c: {  	_ =	shalt  }
0x4d: {  	_ =	shalt  }
0x4e: {  	_ =	shalt  }
0x4f: {  	_ =	shalt  }
0x50: {  	_ =	shalt  }
0x51: {  	_ =	shalt  }
0x52: {  	_ =	shalt  }
0x53: {  	_ =	shalt  }
0x54: {  	_ =	shalt  }
0x55: {  	_ =	shalt  }
0x56: {  	_ =	shalt  }
0x57: {  	_ =	shalt  }
0x58: {  	_ =	shalt  }
0x59: {  	_ =	shalt  }
0x5a: {  	_ =	shalt  }
0x5b: {  	_ =	shalt  }
0x5c: {  	_ =	shalt  }
0x5d: {  	_ =	shalt  }
0x5e: {  	_ =	shalt  }
0x5f: {  	_ =	shalt  }
0x60: {  	_ =	shalt  }
0x61: {  	_ =	shalt  }
0x62: {  	_ =	shalt  }
0x63: {  	_ =	shalt  }
0x64: {  	_ =	shalt  }
0x65: {  	_ =	shalt  }
0x66: {  	_ =	shalt  }
0x67: {  	_ =	shalt  }
0x68: {  	_ =	shalt  }
0x69: {  	_ =	shalt  }
0x6a: {  	_ =	shalt  }
0x6b: {  	_ =	shalt  }
0x6c: {  	_ =	shalt  }
0x6d: {  	_ =	shalt  }
0x6e: {  	_ =	shalt  }
0x6f: {  	_ =	shalt  }
0x70: {  	_ =	shalt  }
0x71: {  	_ =	shalt  }
0x72: {  	_ =	shalt  }
0x73: {  	_ =	shalt  }
0x74: {  	_ =	shalt  }
0x75: {  	_ =	shalt  }
0x76: {  	_ =	shalt  }
0x77: {  	_ =	shalt  }
0x78: {  	_ =	shalt  }
0x79: {  	_ =	shalt  }
0x7a: {  	_ =	shalt  }
0x7b: {  	_ =	shalt  }
0x7c: {  	_ =	shalt  }
0x7d: {  	_ =	shalt  }
0x7e: {  	_ =	shalt  }
0x7f: {  	_ =	shalt  }
0x80: {  	_ =	shalt  }
0x81: {  	_ =	shalt  }
0x82: {  	_ =	shalt  }
0x83: {  	_ =	shalt  }
0x84: {  	_ =	shalt  }
0x85: {  	_ =	shalt  }
0x86: {  	_ =	shalt  }
0x87: {  	_ =	shalt  }
.Lfunc_end0:
.L_simem_size_0:
called_computation.1_lowered:
.L_overlay_start_0:
0x88: {  	s2 =	sld [smem:$0x3FD9]  }
0x89: {  	s3 =	sld [smem:$0x3FFE];
	_ =	sdelay $0x1  }
0x8a: {  	s1 =	srdreg.scid  }
0x8b: {  	s0 =	sand.u32 $0x1, s1  }
0x8c: {  	s17 =	sshll.u32 s0, $0xA;
	s2 =	sadd.s32 s3, s2  }
0x8d: {  	s2 =	sadd.s32 s2, s17  }
0x8e: {  	[smem:$0x3FBF] =	sst s2  }
0x8f: {  	_ = 	snop  }
0x90: {  	s2 =	sld [smem:$0x3FD0];
	(tm) =	ssettm $0x1  }
0x91: {  	s18 =	sld [smem:$0x3FFB];
	_ =	sdelay $0x3  }
0x92: {  	_ =	strace s18  }
0x93: {  	s3 =	sld [smem:$0x3FFC];
	_ =	sdelay $0x3  }
0x94: {  	_ =	strace s3  }
0x95: {  	s3 =	sld [smem:$0x3FFD];
	_ =	sdelay $0x3  }
0x96: {  	_ =	strace s3  }
0x97: {  	_ =	strace $0x8FFFFFFF  }
0x98: {  	s19 =	sld [smem:$0x3FDB];
	_ =	sdelay $0x1  }
0x99: {  	s4 =	simm.s32 $_scs_section_size  }
0x9a: {  	s5 =	simm.s32 $_size__tile_overlayer_lowered;
	s6 =	simm.s32 $_tile_overlayer_lowered  }
0x9b: {  	s22 =	simm.s32 $0x1BFF;
	s21 =	sshll.u32 s6, $0x1;
	s3 =	sadd.s32 s4, s19  }
0x9c: {  	s7 =	simm.s32 $0x0;
	s20 =	sshll.u32 s5, $0x1;
	s5 =	sadd.s32 s21, s3  }
0x9d: {  	[timem:s7], [sflag:s22] =	dma.local [hbm:s5], s20  }
0x9e: {  	_ =	swait.ge [sflag:s22], s20  }
0x9f: {  	s4 =	ssub.s32 $0x0, s20;
	[sflag:s22] =	ssyncset.done $0x0  }
0xa0: {  	[sflag:s22] =	ssyncadd.s32 s4;
	_ =	sdelay $0x1  }
0xa1: {  	s23 =	simm.s32 $0x1B8B  }
0xa2: {  	_ =	swait.ge [sflag:s23], $0x1  }
0xa3: {  	[sflag:s23] =	ssyncset.done $0x0  }
0xa4: {  	s25 =	simm.s32 $0x1B8E;
	s24 =	sld [smem:$0x3FFE];
	[sflag:s23] =	ssyncadd.s32 $0xFFFFFFFF  }
0xa5: {  	s26 =	simm.s32 $execute0_lowered;
	[smem:$0x3FD2] =	sst s25  }
0xa6: {  	s5 =	sshll.u32 s26, $0x1;
	_ =	strace $0x80000049;
	[dreg:$0x1] =	wrdreg $0xFFFFFFFF  }
0xa7: {  	s28 =	simm.s32 $_size_execute0_lowered;
	s3 =	sadd.s32 s3, s5;
	[dreg:$0x0] =	wrdreg $0x0  }
0xa8: {  	s5 =	sshll.u32 s28, $0x1;
	[dreg:$0x2] =	wrdreg s3  }
0xa9: {  	[dreg:$0x3] =	wrdreg s5  }
0xaa: {  	[dreg:$0x4] =	wrdreg $0xC0  }
0xab: {  	_ =	task [dreg:s7], $0x5FFFF  }
0xac: {  	[dreg:$0x1] =	wrdreg $0xFFFFFFFF  }
0xad: {  	[dreg:$0x0] =	wrdreg $0x60  }
0xae: {  	[dreg:$0x2] =	wrdreg s2  }
0xaf: {  	[dreg:$0x3] =	wrdreg s24  }
0xb0: {  	[dreg:$0x4] =	wrdreg $0xC4000  }
0xb1: {  	[dreg:$0x5] =	wrdreg $0x9  }
0xb2: {  	_ =	task.clear_ibuf [dreg:s7], $0x6FFFF;
	_ =	strace $0x90000049  }
0xb3: {  	s29 =	simm.s32 $0x9;
	_ =	strace $0x8000004B  }
0xb4: {  	_ =	swait.ge [sflag:s29], $0x1  }
0xb5: {  	[sflag:s29] =	ssyncadd.s32 $0xFFFFFFFF  }
0xb6: {  	_ =	strace $0x9000004B  }
0xb7: {  	_ =	sfence  }
0xb8: {  	s30 =	sld [smem:$0x0];
	_ =	sdelay $0x2  }
0xb9: {  	s31 =	sshll.u32 s1, $0xD;
	s1 =	sshrl.u32 s1, $0x2  }
0xba: {  	s3 =	sand.u32 $0x4000, s31;
	s1 =	sadd.s32 s1, s30  }
0xbb: {  	s0 =	sor.u32 s3, s0;
	s1 =	sshll.u32 s1, $0x11  }
0xbc: {  	s0 =	sor.u32 s1, s0  }
0xbd: {  	s0 =	sadd.s32 $0x8F2B, s0  }
0xbe: {  	[sflag:s0] =	ssyncadd.remote.s32 $0x1  }
0xbf: {  	_ =	sfence.sel $0xFFFF  }
0xc0: {  	[dreg:$0x0] =	wrdreg $0xFFFFFFFF;
	(pc) =	sbr.abs _section_cstart, $3  }
0xc1: {  	[dreg:$0x1] =	wrdreg $0xFFFFFFFF  }
0xc2: {  	_ =	task.clear_ibuf [dreg:s7], $0x2FFFF;
	_ =	strace $0x9FFFFFFF  }
0xc3: {  	(tm) =	ssettm $0x7FFFFFFF  }
tec
execute0_lowered:
.L_overlay_start_1:
0x0: {  	(tag) =	ssettag $0x1  }
0x1: {  	s1 =	rddreg [dreg:$0x0]  }
0x2: {  	s0 =	rddreg [dreg:$0x1]  }
0x3: {  	s2 =	rddreg [dreg:$0x2];
	s4 =	simm.s32 $0x0  }
0x4: {  	s3 =	srdreg.scid;
	s12 =	stileid.u32;
	s18 =	simm.s32 $0xD  }
0x5: {  	s28 =	simm.s32 $0x1;
	s29 =	simm.s32 $0xA;
	s30 =	simm.s32 $0x2  }
0x6: {  	s31 =	simm.s32 $0xB;
	s14 =	simm.s32 $0x6;
	s15 =	simm.s32 $0x9  }
0x7: {  	s19 =	simm.s32 $0x0;
	[smem:$0x7FF] =	sst s4;
	s5 =	sadd.s32 $0x2E00, s0  }
0x8: {  	s3 =	sand.u32 $0x1, s3;
	s6 =	sshll.u32 s12, $0x1;
	s9 =	smul.u32 $0x4F000, s12  }
0x9: {  	s11 =	sadd.s32 $0x17200, s0;
	s20 =	sshll.u32 s12, $0x6;
	s26 =	smul.u32 $0x2780, s12  }
0xa: {  	s12 =	simm.s32 $0x5;
	_ =	strace $0x8000004A;
	s8 =	ssub.s32 $0x2, s3  }
0xb: {  	s7 =	sor.u32 s3, s6;
	s6 =	sadd.s32 $0xD000, s0;
	[dreg:$0x4] =	wrdreg s11  }
0xc: {  	s16 =	sor.u32 $0x1C0D, s20;
	p0 =	seq.s32 s3, $0x1;
	s3 =	simm.s32 $0x41200  }
0xd: {  	s20 =	simm.s32 $0x200;
	s10 =	sshrl.u32 s8, $0x1;
	s7 =	smul.u32 $0x2880, s7  }
0xe: {  	s9 =	sshrl.u32 s9, $0x2;
	s3 =	simm.s32 @!p0 $0x19A00;
	[dreg:$0x5] =	wrdreg s16  }
0xf: {  	s8 =	ssub.s32 s8, s10;
	s9 =	sadd.s32 s9, s2;
	s0 =	sadd.s32 s3, s0  }
0x10: {  	s3 =	simm.s32 $0x3;
	s21 =	sshrl.u32 s7, $0x3;
	s8 =	smax.u32 s8, $0x1  }
0x11: {  	s0 =	sadd.s32 s0, s26;
	s17 =	sshrl.u32 s9, $0x3;
	[dreg:$0xc] =	wrdreg s8  }
0x12: {  	s26 =	simm.s32 $0x8400;
	s22 =	sadd.s32 s5, s21;
	[dreg:$0xd] =	wrdreg s0  }
0x13: {  	s23 =	sadd.s32 $0x10, s21;
	s13 =	sadd.s32 s6, s21;
	[dreg:$0xe] =	wrdreg s17  }
0x14: {  	s25 =	sadd.s32 $0x20, s21;
	s21 =	simm.s32 $0x80;
	[dreg:$0x6] =	wrdreg s22  }
0x15: {  	s0 =	simm.s32 $0x280;
	[dreg:$0x7] =	wrdreg s13;
	s24 =	sadd.s32 s5, s23  }
0x16: {  	s8 =	simm.s32 $0xC;
	s10 =	sadd.s32 s6, s23;
	[dreg:$0x8] =	wrdreg s24  }
0x17: {  	s11 =	sadd.s32 s5, s25;
	s22 =	simm.s32 $0x400;
	[dreg:$0x9] =	wrdreg s10  }
0x18: {  	s23 =	simm.s32 $0x4400;
	s13 =	simm.s32 $0x8;
	[dreg:$0xa] =	wrdreg s11  }
0x19: {  	s10 =	sadd.s32 s6, s25;
	s24 =	simm.s32 $0x100;
	s25 =	simm.s32 $0x300  }
0x1a: {  	s11 =	simm.s32 $0x7;
	[dreg:$0xb] =	wrdreg s10;
	s10 =	simm.s32 $0x4  }
.LBB2_1:
0x1b: {  	[dreg:$0xf] =	wrdreg s19  }
0x1c: {  	s9 =	rddreg [dreg:$0x4]  }
0x1d: {  	[spmem:s17], [sflag:s16] =	dma.local [hbm:s9], $0x2780  }
0x1e: {  	_ =	swait.ge [sflag:s18], $0x2780  }
0x1f: {  	[sflag:s18] =	ssyncset.done $0x0  }
0x20: {  	s19 =	rddreg [dreg:$0x6];
	[sflag:s18] =	ssyncadd.s32 $0xFFFFD880  }
0x21: {  	[tilespmem:s4], [sflag:$0xD] =	stream.linear.gather [hbm4b:s19+s4], $0x80, $0x38;
	v63 =	vld [tilespmem:$0x0]  }
0x22: {  	_ =	swait.ge [sflag:s18], $0x80  }
0x23: {  	[sflag:s18] =	ssyncset.done $0x0  }
0x24: {  	s16 =	rddreg [dreg:$0x7];
	[sflag:s18] =	ssyncadd.s32 $0xFFFFFF80  }
0x25: {  	[tilespmem:s20], [sflag:$0xA] =	stream.linear.gather [hbm4b:s16+s4], $0x80, $0x38;
	v63 =	vld [tilespmem:$0x0]  }
0x26: {  	_ = 	snop  }
0x27: {  	[tilespmem:s22], [sflag:$0x1] =	stream.indirect.gather [hbm4b:s1+s21], $0x80, s4, s21, $0xb8;
	v63 =	vld [tilespmem:$0x0]  }
0x28: {  	s17 =	rddreg [dreg:$0x8]  }
0x29: {  	[tilespmem:s21], [sflag:$0xD] =	stream.linear.gather [hbm4b:s17+s4], $0x80, $0x38;
	v63 =	vld [tilespmem:$0x0]  }
0x2a: {  	_ =	swait.ge [sflag:s18], $0x80  }
0x2b: {  	[sflag:s18] =	ssyncset.done $0x0  }
0x2c: {  	s19 =	rddreg [dreg:$0x9];
	[sflag:s18] =	ssyncadd.s32 $0xFFFFFF80  }
0x2d: {  	[tilespmem:s0], [sflag:$0xB] =	stream.linear.gather [hbm4b:s19+s4], $0x80, $0x38;
	v63 =	vld [tilespmem:$0x0]  }
0x2e: {  	_ = 	snop  }
0x2f: {  	[tilespmem:s23], [sflag:$0x2] =	stream.indirect.gather [hbm4b:s1+s21], $0x80, s21, s21, $0xb8;
	v63 =	vld [tilespmem:$0x0]  }
0x30: {  	s16 =	rddreg [dreg:$0xa]  }
0x31: {  	[tilespmem:s24], [sflag:$0xD] =	stream.linear.gather [hbm4b:s16+s4], $0x80, $0x38;
	v63 =	vld [tilespmem:$0x0]  }
0x32: {  	_ =	swait.ge [sflag:s18], $0x80  }
0x33: {  	[sflag:s18] =	ssyncset.done $0x0  }
0x34: {  	s17 =	rddreg [dreg:$0xb];
	[sflag:s18] =	ssyncadd.s32 $0xFFFFFF80  }
0x35: {  	[tilespmem:s25], [sflag:$0xC] =	stream.linear.gather [hbm4b:s17+s4], $0x80, $0x38;
	v63 =	vld [tilespmem:$0x0]  }
0x36: {  	_ = 	snop  }
0x37: {  	[tilespmem:s26], [sflag:$0x3] =	stream.indirect.gather [hbm4b:s1+s21], $0x80, s24, s21, $0xb8;
	v63 =	vld [tilespmem:$0x0]  }
0x38: {  	[bflag:$0x0] =	sbarrier.arrive $0xFFFF  }
0x39: {  	_ =	swait.ge [sflag:s28], $0x4000  }
0x3a: {  	[sflag:s28] =	ssyncset.done $0x0  }
0x3b: {  	p0 =	por $0x0, $0x0;
	s9 =	simm.s32 $0x180;
	[sflag:s28] =	ssyncadd.s32 $0xFFFFC000  }
0x3c: {  	s9 =	simm.s32 @p0 $0x0;
	_ =	swait.ge [sflag:s29], $0x80  }
0x3d: {  	s9 =	sadd.s32 s7, s9;
	[sflag:s29] =	ssyncset.done $0x0  }
0x3e: {  	s9 =	sshrl.u32 s9, $0x3;
	[sflag:s29] =	ssyncadd.s32 $0xFFFFFF80  }
0x3f: {  	[spmem:s2] =	stream.indirect.scatter.add.f32 [tilespmem:s22], [sflag:$0x4], $0x80, s20, s21, $0xb8;
	v63 =	vld [tilespmem:$0x0]  }
0x40: {  	s18 =	sadd.s32 s5, s9  }
0x41: {  	[tilespmem:s4], [sflag:$0x7] =	stream.linear.gather [hbm4b:s18+s4], $0x80, $0x38;
	v63 =	vld [tilespmem:$0x0]  }
0x42: {  	_ =	swait.ge [sflag:s30], $0x4000  }
0x43: {  	[sflag:s30] =	ssyncset.done $0x0  }
0x44: {  	s17 =	simm.s32 $0x200;
	[sflag:s30] =	ssyncadd.s32 $0xFFFFC000  }
0x45: {  	s17 =	simm.s32 @p0 $0x80;
	_ =	swait.ge [sflag:s31], $0x80  }
0x46: {  	s17 =	sadd.s32 s7, s17;
	[sflag:s31] =	ssyncset.done $0x0  }
0x47: {  	s17 =	sshrl.u32 s17, $0x3;
	[sflag:s31] =	ssyncadd.s32 $0xFFFFFF80  }
0x48: {  	[spmem:s2] =	stream.indirect.scatter.add.f32 [tilespmem:s23], [sflag:$0x5], $0x80, s0, s21, $0xb8;
	v63 =	vld [tilespmem:$0x0]  }
0x49: {  	s19 =	sadd.s32 s5, s17  }
0x4a: {  	[tilespmem:s21], [sflag:$0x8] =	stream.linear.gather [hbm4b:s19+s4], $0x80, $0x38;
	v63 =	vld [tilespmem:$0x0]  }
0x4b: {  	_ =	swait.ge [sflag:s3], $0x4000  }
0x4c: {  	[sflag:s3] =	ssyncset.done $0x0  }
0x4d: {  	s18 =	simm.s32 $0x280;
	[sflag:s3] =	ssyncadd.s32 $0xFFFFC000  }
0x4e: {  	s18 =	simm.s32 @p0 $0x100;
	_ =	swait.ge [sflag:s8], $0x80  }
0x4f: {  	s18 =	sadd.s32 s7, s18;
	[sflag:s8] =	ssyncset.done $0x0  }
0x50: {  	s18 =	sshrl.u32 s18, $0x3;
	[sflag:s8] =	ssyncadd.s32 $0xFFFFFF80  }
0x51: {  	[spmem:s2] =	stream.indirect.scatter.add.f32 [tilespmem:s26], [sflag:$0x6], $0x80, s25, s21, $0xb8;
	v63 =	vld [tilespmem:$0x0]  }
0x52: {  	s16 =	sadd.s32 s5, s18  }
0x53: {  	[tilespmem:s24], [sflag:$0x9] =	stream.linear.gather [hbm4b:s16+s4], $0x80, $0x38;
	v63 =	vld [tilespmem:$0x0]  }
0x54: {  	_ =	swait.ge [sflag:s10], $0x4000  }
0x55: {  	[sflag:s10] =	ssyncset.done $0x0  }
0x56: {  	s9 =	sadd.s32 s6, s9;
	[sflag:s10] =	ssyncadd.s32 $0xFFFFC000  }
0x57: {  	[tilespmem:s20], [sflag:$0xA] =	stream.linear.gather [hbm4b:s9+s4], $0x80, $0x38;
	v63 =	vld [tilespmem:$0x0]  }
0x58: {  	_ =	swait.ge [sflag:s11], $0x80  }
0x59: {  	[sflag:s11] =	ssyncset.done $0x0  }
0x5a: {  	[sflag:s11] =	ssyncadd.s32 $0xFFFFFF80  }
0x5b: {  	[tilespmem:s22], [sflag:$0x1] =	stream.indirect.gather [hbm4b:s1+s21], $0x80, s4, s21, $0xb8;
	v63 =	vld [tilespmem:$0x0]  }
0x5c: {  	_ =	swait.ge [sflag:s12], $0x4000  }
0x5d: {  	[sflag:s12] =	ssyncset.done $0x0  }
0x5e: {  	s17 =	sadd.s32 s6, s17;
	[sflag:s12] =	ssyncadd.s32 $0xFFFFC000  }
0x5f: {  	[tilespmem:s0], [sflag:$0xB] =	stream.linear.gather [hbm4b:s17+s4], $0x80, $0x38;
	v63 =	vld [tilespmem:$0x0]  }
0x60: {  	_ =	swait.ge [sflag:s13], $0x80  }
0x61: {  	[sflag:s13] =	ssyncset.done $0x0  }
0x62: {  	[sflag:s13] =	ssyncadd.s32 $0xFFFFFF80  }
0x63: {  	[tilespmem:s23], [sflag:$0x2] =	stream.indirect.gather [hbm4b:s1+s21], $0x80, s21, s21, $0xb8;
	v63 =	vld [tilespmem:$0x0]  }
0x64: {  	_ =	swait.ge [sflag:s14], $0x4000  }
0x65: {  	[sflag:s14] =	ssyncset.done $0x0  }
0x66: {  	s19 =	sadd.s32 s6, s18;
	[sflag:s14] =	ssyncadd.s32 $0xFFFFC000  }
0x67: {  	[tilespmem:s25], [sflag:$0xC] =	stream.linear.gather [hbm4b:s19+s4], $0x80, $0x38;
	v63 =	vld [tilespmem:$0x0]  }
0x68: {  	_ =	swait.ge [sflag:s15], $0x80  }
0x69: {  	s17 =	simm.s32 $0x400;
	[sflag:s15] =	ssyncset.done $0x0  }
.LBB2_2:
0x6a: {  	p0 =	sne.s32 s17, $0x2980  }
0x6b: {  	[sflag:s15] =	ssyncadd.s32 $0xFFFFFF80;
	s9 =	smov.u32 s17;
	s17 =	sadd.s32 $0x180, s17  }
0x6c: {  	[tilespmem:s26], [sflag:$0x3] =	stream.indirect.gather [hbm4b:s1+s21], $0x80, s24, s21, $0xb8;
	v63 =	vld [tilespmem:$0x0]  }
0x6d: {  	_ =	swait.ge [sflag:s28], $0x4000  }
0x6e: {  	s18 =	sadd.s32 $0xFFFFFF80, s9;
	[sflag:s28] =	ssyncset.done $0x0  }
0x6f: {  	p1 =	seq.s32 s9, $0x2980;
	s19 =	sadd.s32 $0xFFFFFF00, s9;
	[sflag:s28] =	ssyncadd.s32 $0xFFFFC000  }
0x70: {  	s19 =	simm.s32 @p1 $0x0;
	s18 =	simm.s32 @p1 $0x80;
	_ =	swait.ge [sflag:s29], $0x80  }
0x71: {  	s19 =	sadd.s32 s7, s19;
	s18 =	sadd.s32 s7, s18;
	[sflag:s29] =	ssyncset.done $0x0  }
0x72: {  	s9 =	simm.s32 @p1 $0x100;
	s19 =	sshrl.u32 s19, $0x3;
	[sflag:s29] =	ssyncadd.s32 $0xFFFFFF80  }
0x73: {  	[spmem:s2] =	stream.indirect.scatter.add.f32 [tilespmem:s22], [sflag:$0x4], $0x80, s20, s21, $0xb8;
	v63 =	vld [tilespmem:$0x0]  }
0x74: {  	s9 =	sadd.s32 s7, s9;
	s16 =	sadd.s32 s5, s19  }
0x75: {  	[tilespmem:s4], [sflag:$0x7] =	stream.linear.gather [hbm4b:s16+s4], $0x80, $0x38;
	v63 =	vld [tilespmem:$0x0]  }
0x76: {  	s9 =	sshrl.u32 s9, $0x3;
	_ =	swait.ge [sflag:s30], $0x4000  }
0x77: {  	[sflag:s30] =	ssyncset.done $0x0  }
0x78: {  	[sflag:s30] =	ssyncadd.s32 $0xFFFFC000  }
0x79: {  	_ =	swait.ge [sflag:s31], $0x80  }
0x7a: {  	s16 =	sshrl.u32 s18, $0x3;
	[sflag:s31] =	ssyncset.done $0x0  }
0x7b: {  	s18 =	sadd.s32 s5, s16;
	[sflag:s31] =	ssyncadd.s32 $0xFFFFFF80  }
0x7c: {  	[spmem:s2] =	stream.indirect.scatter.add.f32 [tilespmem:s23], [sflag:$0x5], $0x80, s0, s21, $0xb8;
	v63 =	vld [tilespmem:$0x0]  }
0x7d: {  	_ = 	snop  }
0x7e: {  	[tilespmem:s21], [sflag:$0x8] =	stream.linear.gather [hbm4b:s18+s4], $0x80, $0x38;
	v63 =	vld [tilespmem:$0x0]  }
0x7f: {  	_ =	swait.ge [sflag:s3], $0x4000  }
0x80: {  	[sflag:s3] =	ssyncset.done $0x0  }
0x81: {  	[sflag:s3] =	ssyncadd.s32 $0xFFFFC000  }
0x82: {  	_ =	swait.ge [sflag:s8], $0x80  }
0x83: {  	[sflag:s8] =	ssyncset.done $0x0  }
0x84: {  	s18 =	sadd.s32 s5, s9;
	[sflag:s8] =	ssyncadd.s32 $0xFFFFFF80  }
0x85: {  	[spmem:s2] =	stream.indirect.scatter.add.f32 [tilespmem:s26], [sflag:$0x6], $0x80, s25, s21, $0xb8;
	v63 =	vld [tilespmem:$0x0]  }
0x86: {  	_ = 	snop  }
0x87: {  	[tilespmem:s24], [sflag:$0x9] =	stream.linear.gather [hbm4b:s18+s4], $0x80, $0x38;
	v63 =	vld [tilespmem:$0x0]  }
0x88: {  	_ =	swait.ge [sflag:s10], $0x4000  }
0x89: {  	s18 =	sadd.s32 s6, s19;
	[sflag:s10] =	ssyncset.done $0x0  }
0x8a: {  	[sflag:s10] =	ssyncadd.s32 $0xFFFFC000  }
0x8b: {  	[tilespmem:s20], [sflag:$0xA] =	stream.linear.gather [hbm4b:s18+s4], $0x80, $0x38;
	v63 =	vld [tilespmem:$0x0]  }
0x8c: {  	_ =	swait.ge [sflag:s11], $0x80  }
0x8d: {  	[sflag:s11] =	ssyncset.done $0x0  }
0x8e: {  	[sflag:s11] =	ssyncadd.s32 $0xFFFFFF80  }
0x8f: {  	[tilespmem:s22], [sflag:$0x1] =	stream.indirect.gather [hbm4b:s1+s21], $0x80, s4, s21, $0xb8;
	v63 =	vld [tilespmem:$0x0]  }
0x90: {  	_ =	swait.ge [sflag:s12], $0x4000  }
0x91: {  	s16 =	sadd.s32 s6, s16;
	[sflag:s12] =	ssyncset.done $0x0  }
0x92: {  	[sflag:s12] =	ssyncadd.s32 $0xFFFFC000  }
0x93: {  	[tilespmem:s0], [sflag:$0xB] =	stream.linear.gather [hbm4b:s16+s4], $0x80, $0x38;
	v63 =	vld [tilespmem:$0x0]  }
0x94: {  	_ =	swait.ge [sflag:s13], $0x80  }
0x95: {  	[sflag:s13] =	ssyncset.done $0x0  }
0x96: {  	[sflag:s13] =	ssyncadd.s32 $0xFFFFFF80  }
0x97: {  	[tilespmem:s23], [sflag:$0x2] =	stream.indirect.gather [hbm4b:s1+s21], $0x80, s21, s21, $0xb8;
	v63 =	vld [tilespmem:$0x0]  }
0x98: {  	_ =	swait.ge [sflag:s14], $0x4000  }
.Ltmp0:
0x99: {  	s9 =	sadd.s32 s6, s9;
	[sflag:s14] =	ssyncset.done $0x0;
	(pc) =	sbr.rel @p0 .LBB2_2-.Ltmp0, $4  }
0x9a: {  	[sflag:s14] =	ssyncadd.s32 $0xFFFFC000  }
0x9b: {  	[tilespmem:s25], [sflag:$0xC] =	stream.linear.gather [hbm4b:s9+s4], $0x80, $0x38;
	v63 =	vld [tilespmem:$0x0]  }
0x9c: {  	_ =	swait.ge [sflag:s15], $0x80  }
0x9d: {  	[sflag:s15] =	ssyncset.done $0x0  }
0x9e: {  	[sflag:s15] =	ssyncadd.s32 $0xFFFFFF80  }
0x9f: {  	[tilespmem:s26], [sflag:$0x3] =	stream.indirect.gather [hbm4b:s1+s21], $0x80, s24, s21, $0xb8;
	v63 =	vld [tilespmem:$0x0]  }
0xa0: {  	_ =	swait.ge [sflag:s28], $0x4000  }
0xa1: {  	[sflag:s28] =	ssyncset.done $0x0  }
0xa2: {  	[sflag:s28] =	ssyncadd.s32 $0xFFFFC000  }
0xa3: {  	_ =	swait.ge [sflag:s29], $0x80  }
0xa4: {  	[sflag:s29] =	ssyncset.done $0x0  }
0xa5: {  	[sflag:s29] =	ssyncadd.s32 $0xFFFFFF80  }
0xa6: {  	_ =	swait.ge [sflag:s30], $0x4000  }
0xa7: {  	[sflag:s30] =	ssyncset.done $0x0  }
0xa8: {  	[sflag:s30] =	ssyncadd.s32 $0xFFFFC000  }
0xa9: {  	_ =	swait.ge [sflag:s31], $0x80  }
0xaa: {  	[sflag:s31] =	ssyncset.done $0x0  }
0xab: {  	[sflag:s31] =	ssyncadd.s32 $0xFFFFFF80  }
0xac: {  	_ =	swait.ge [sflag:s3], $0x4000  }
0xad: {  	[sflag:s3] =	ssyncset.done $0x0  }
0xae: {  	[sflag:s3] =	ssyncadd.s32 $0xFFFFC000  }
0xaf: {  	_ =	swait.ge [sflag:s8], $0x80  }
0xb0: {  	[sflag:s8] =	ssyncset.done $0x0  }
0xb1: {  	[sflag:s8] =	ssyncadd.s32 $0xFFFFFF80  }
0xb2: {  	[bflag:$0x0] =	sbarrier.arrive $0xFFFF  }
0xb3: {  	s16 =	rddreg [dreg:$0x5]  }
0xb4: {  	s9 =	rddreg [dreg:$0xd]  }
0xb5: {  	s18 =	simm.s32 $0xD;
	s17 =	rddreg [dreg:$0xe]  }
0xb6: {  	[hbm:s9], [sflag:s16] =	dma.local [spmem:s17], $0x2780  }
0xb7: {  	_ =	swait.ge [sflag:s18], $0x2780  }
0xb8: {  	s19 =	rddreg [dreg:$0xf]  }
0xb9: {  	s9 =	rddreg [dreg:$0xc];
	s19 =	sadd.s32 $0x1, s19  }
0xba: {  	p0 =	sne.s32 s19, s9  }
.Ltmp1:
0xbb: {  	_ = 	snop;
	(pc) =	sbr.rel @p0 .LBB2_1-.Ltmp1, $3  }
0xbc: {  	_ =	sdelay $0x1  }
0xbd: {  	[sflag:s18] =	ssyncset.done $0x0  }
0xbe: {  	[sflag:s18] =	ssyncadd.s32 $0xFFFFD880  }
0xbf: {  	_ =	sfence.sel $0x180000  }
0xc0: {  	[bflag:$0x0] =	sbarrier.arrive $0xFFFF  }
0xc1: {  	_ =	strace $0x9000004A  }
0xc2: {  	s0 =	stileid.u32;
	[bflag:$0x2] =	sbarrier.arrive $0xFFFF  }
0xc3: {  	p0 =	sne.s32 s0, $0x0;
	s0 =	rddreg [dreg:$0x3]  }
0xc4: {  	s0 =	sadd.s32 @!p0 $0x100000, s0  }
0xc5: {  	[sflag:s0] =	ssyncadd.tile.s32 @!p0 $0x1;
	_ =	shalt  }
.Lfunc_end2:
_tile_overlayer_lowered:
.L_overlay_start_2:
0xc6: {  	(tag) =	ssettag $0x2  }
0xc7: {  	s0 =	rddreg [dreg:$0x0];
	s2 =	stileid.u32  }
0xc8: {  	s1 =	rddreg [dreg:$0x1];
	p0 =	sne.s32 s2, $0x0  }
0xc9: {  	s3 =	rddreg [dreg:$0x2];
	[bflag:$0x3] =	sbarrier.arrive $0xFFFF;
	s2 =	simm.s32 @!p0 $0x1C0D  }
0xca: {  	[timem:s3], [sflag:s2] =	dma.local @!p0 [hbm:s0], s1  }
0xcb: {  	s0 =	simm.s32 @!p0 $0xD  }
0xcc: {  	_ =	swait.ge @!p0 [sflag:s0], s1  }
0xcd: {  	s1 =	ssub.s32 @!p0 $0x0, s1;
	[sflag:s0] =	ssyncset.done @!p0 $0x0  }
0xce: {  	[sflag:s0] =	ssyncadd.s32 @!p0 s1  }
0xcf: {  	[bflag:$0x3] =	sbarrier.arrive $0xFFFF  }
0xd0: {  	_ =	shalt  }

</sc_bundles>
